<compile_context>
chip_gen: v7x
topology: tpu7x:2x2x1
jax: 0.10.2.dev20260603
libtpu: 0.0.44.dev20260713+nightly
codegen_flags: <defaults>
</compile_context>

<pallas_src>
import functools

import jax
import jax.numpy as jnp
from jax import lax
from jax.experimental import pallas as pl
from jax.experimental.pallas import tpu as pltpu
from jax.experimental.pallas import tpu_sc as plsc

B, CIN, C, N, K = 2, 256, 256, 2048, 16
TNA = 512
TNC = 256
TNB = 256
ROWS = B * N * K
NRB = N * K
NW = 32
CH = 128


def _prep_body(xc_ref, pr_ref, pt_ref, wint_ref, bin_ref, g1_ref, be1_ref,
               wqt_ref, h_ref, tab_ref, qw_ref, idx_ref):
    q = pl.program_id(1)
    xc = xc_ref[0]
    h = lax.dot_general(xc, wint_ref[...], (((0,), (1,)), ((), ())),
                        preferred_element_type=jnp.float32)
    h = h + bin_ref[...]
    mu = jnp.mean(h, axis=1, keepdims=True)
    var = jnp.mean((h - mu) ** 2, axis=1, keepdims=True)
    hn = (h - mu) * lax.rsqrt(var + 1e-5) * g1_ref[...] + be1_ref[...]
    h_ref[0] = h
    p = pr_ref[0]
    b16 = lambda x: (lax.bitcast_convert_type(
        x.astype(jnp.bfloat16).astype(jnp.float32), jnp.int32)
        >> 16) & jnp.int32(0xFFFF)
    u = b16(hn)
    p_hi = p.astype(jnp.bfloat16).astype(jnp.float32)
    tab_ref[0, :, :PW] = u[:, :PW] | (u[:, PW:] << 16)
    tab_ref[0, :, PW:] = b16(p_hi) | (b16(p - p_hi) << 16)
    qw_ref[0] = jnp.dot(hn, wqt_ref[...], preferred_element_type=jnp.float32)

    PT = pt_ref[0]
    d = 2.0 * jnp.dot(p, PT, preferred_element_type=jnp.float32)
    d = d - jnp.sum(p * p, axis=1, keepdims=True)
    d = d - jnp.sum(PT * PT, axis=0, keepdims=True)
    col = lax.broadcasted_iota(jnp.int32, (TNA, N), 1)
    row_g = lax.broadcasted_iota(jnp.int32, (TNA, N), 0) + q * TNA
    d = jnp.where(col == row_g, -1e9, d)
    bits = lax.bitcast_convert_type(d, jnp.int32)
    sb = bits ^ ((bits >> 31) & jnp.int32(0x7FFFFFFF))
    pk = (sb & jnp.int32(~2047)) | (2047 - col)
    acc = jnp.zeros((TNA, K), jnp.int32)
    kcol = lax.broadcasted_iota(jnp.int32, (TNA, K), 1)
    int_min = jnp.int32(-(2 ** 31))
    for it in range(K):
        m = jnp.max(pk, axis=1, keepdims=True)
        pk = jnp.where(pk == m, int_min, pk)
        acc = jnp.where(kcol == it, 2047 - (m & 2047), acc)
    idx_ref[0] = acc


def _prep_call(xc, pr128, pt128, W_in, binr, g1r, be1r, wqt):
    f32 = jnp.float32
    return pl.pallas_call(
        _prep_body,
        grid=(1, N // TNA),
        in_specs=[
            pl.BlockSpec((1, CIN, TNA), lambda b, q: (b, 0, q)),
            pl.BlockSpec((1, TNA, PW), lambda b, q: (b, q, 0)),
            pl.BlockSpec((1, PW, N), lambda b, q: (b, 0, 0)),
            pl.BlockSpec((C, CIN), lambda b, q: (0, 0)),
            pl.BlockSpec((1, C), lambda b, q: (0, 0)),
            pl.BlockSpec((1, C), lambda b, q: (0, 0)),
            pl.BlockSpec((1, C), lambda b, q: (0, 0)),
            pl.BlockSpec((C, C), lambda b, q: (0, 0)),
        ],
        out_specs=[
            pl.BlockSpec((1, TNA, C), lambda b, q: (b, q, 0)),
            pl.BlockSpec((1, TNA, TW), lambda b, q: (b, q, 0)),
            pl.BlockSpec((1, TNA, C), lambda b, q: (b, q, 0)),
            pl.BlockSpec((1, TNA, K), lambda b, q: (b, q, 0)),
        ],
        out_shape=[
            jax.ShapeDtypeStruct((1, N, C), f32),
            jax.ShapeDtypeStruct((1, N, TW), jnp.int32),
            jax.ShapeDtypeStruct((1, N, C), f32),
            jax.ShapeDtypeStruct((1, N, K), jnp.int32),
        ],
    )(xc, pr128, pt128, W_in, binr, g1r, be1r, wqt)


PW = 128
TW = 256
NB = 2


def _gather_body(tab_hbm, idx_hbm, out_hbm, idx_v, rows_v, sem1, sem2):
    wid = lax.axis_index("s") * 2 + lax.axis_index("c")
    rows_per_w = NRB // NW
    sems = (sem1, sem2)

    def body(g, _):
        bases = []
        for bf in range(NB):
            base = wid * rows_per_w + (g * NB + bf) * CH
            bases.append(base)
            pltpu.sync_copy(idx_hbm.at[pl.ds(base, CH)], idx_v.at[bf])
            pltpu.make_async_copy(
                tab_hbm.at[idx_v.at[bf]], rows_v.at[bf], sems[bf]).start()
        for bf in range(NB):
            pltpu.make_async_copy(
                tab_hbm.at[idx_v.at[bf]], rows_v.at[bf], sems[bf]).wait()
            pltpu.sync_copy(rows_v.at[bf], out_hbm.at[pl.ds(bases[bf], CH)])
        return 0

    lax.fori_loop(0, rows_per_w // (CH * NB), body, 0)


def _sc_gather(tab_flat, idx_flat):
    mesh = plsc.VectorSubcoreMesh(core_axis_name="c", subcore_axis_name="s")
    run = functools.partial(
        pl.kernel,
        out_type=jax.ShapeDtypeStruct((NRB, TW), jnp.int32),
        mesh=mesh,
        scratch_types=[
            pltpu.VMEM((NB, CH), jnp.int32),
            pltpu.VMEM((NB, CH, TW), jnp.int32),
            pltpu.SemaphoreType.DMA,
            pltpu.SemaphoreType.DMA,
        ],
    )(_gather_body)
    return run(tab_flat, idx_flat)


def _attn_body(g_ref, pr_ref, qw_ref, h_ref,
               wd1_ref, bd1_ref, wd2_ref, bd2_ref, bpr_ref,
               wk_ref, g2_ref, be2_ref,
               wf1_ref, bf1_ref, wf2_ref, bf2_ref, out_ref):
    TK = TNB * K
    bf16 = jnp.bfloat16
    dot16 = lambda x, w: jnp.dot(x.astype(bf16), w.astype(bf16),
                                 preferred_element_type=jnp.float32)
    w_hn = g_ref[:, :PW]
    w_p = g_ref[:, PW:]
    unlo = lambda w: lax.bitcast_convert_type(w << 16, jnp.float32)
    unhi = lambda w: lax.bitcast_convert_type(
        w & jnp.int32(-65536), jnp.float32)
    hj = jnp.concatenate([unlo(w_hn), unhi(w_hn)], axis=1)
    pj = unlo(w_p) + unhi(w_p)
    pi = pr_ref[0]

    diff = (pi.reshape(TNB, 1, PW) - pj.reshape(TNB, K, PW)).reshape(TK, PW)
    e = jnp.maximum(dot16(diff, wd1_ref[...]) + bd1_ref[...], 0.0)

    dl = dot16(e, wd2_ref[...])
    dpos = dl[:, :C] + bd2_ref[...]
    lpos = dl[:, C:]
    kv = dot16(hj, wk_ref[...])
    kw = kv[:, :C]
    v = kv[:, C:]

    qw = qw_ref[0]

    l3 = (qw.reshape(TNB, 1, C) - kw.reshape(TNB, K, C)
          + lpos.reshape(TNB, K, C) + bpr_ref[...])
    val3 = (v + dpos).reshape(TNB, K, C)

    a = jnp.exp(l3)
    s = jnp.sum(a, axis=1)
    y = jnp.sum(a * val3, axis=1) / s

    hnew = h_ref[0] + y
    mu = jnp.mean(hnew, axis=1, keepdims=True)
    var = jnp.mean((hnew - mu) ** 2, axis=1, keepdims=True)
    h2 = (hnew - mu) * lax.rsqrt(var + 1e-5) * g2_ref[...] + be2_ref[...]
    f = jnp.maximum(dot16(h2, wf1_ref[...]) + bf1_ref[...], 0.0)
    res = hnew + dot16(f, wf2_ref[...]) + bf2_ref[...]
    out_ref[0] = jnp.transpose(res, (1, 0))


def _attn_call(g, pr16, qw, h,
               wd1p, bd1r, wdlt, bd2r, bprr,
               wkvt, g2r, be2r, wf1t, bf1r, wf2t, bf2r):
    TK = TNB * K
    C4 = 4 * C
    full = lambda shape: pl.BlockSpec(shape, lambda b, q: tuple(0 for _ in shape))
    return pl.pallas_call(
        _attn_body,
        grid=(1, N // TNB),
        in_specs=[
            pl.BlockSpec((TK, TW), lambda b, q: (b * (N // TNB) + q, 0)),
            pl.BlockSpec((1, TNB, PW), lambda b, q: (b, q, 0)),
            pl.BlockSpec((1, TNB, C), lambda b, q: (b, q, 0)),
            pl.BlockSpec((1, TNB, C), lambda b, q: (b, q, 0)),
            full((PW, C)), full((1, C)), full((C, 2 * C)), full((1, C)),
            full((1, C)), full((C, 2 * C)),
            full((1, C)), full((1, C)),
            full((C, C4)), full((1, C4)), full((C4, C)), full((1, C)),
        ],
        out_specs=pl.BlockSpec((1, C, TNB), lambda b, q: (b, 0, q)),
        out_shape=jax.ShapeDtypeStruct((1, C, N), jnp.float32),
    )(g, pr16, qw, h,
      wd1p, bd1r, wdlt, bd2r, bprr,
      wkvt, g2r, be2r, wf1t, bf1r, wf2t, bf2r)


def kernel(x, p, W_in, b_in, g1, be1, g2, be2, W_q, W_k, W_v,
           W_d1, b_d1, W_d2, b_d2, W_al, b_al, W_f1, b_f1, W_f2, b_f2):
    f32 = jnp.float32
    pr128 = jnp.pad(jnp.transpose(p, (0, 2, 1)), ((0, 0), (0, 0), (0, PW - 3)))
    pt128 = jnp.pad(p, ((0, 0), (0, PW - 3), (0, 0)))

    wqt = (W_al @ W_q).T
    wkvt = jnp.concatenate([(W_al @ W_k).T, W_v.T], axis=1)
    wd1p = jnp.pad(W_d1.T, ((0, PW - 3), (0, 0)))
    wdlt = jnp.concatenate([W_d2.T, (W_al @ W_d2).T], axis=1)
    bprr = (b_al + W_al @ b_d2).reshape(1, C)
    row = lambda v: v.reshape(1, -1).astype(f32)

    outs = []
    for b in range(B):
        h, tab, qw, idx = _prep_call(x[b:b + 1], pr128[b:b + 1],
                                     pt128[b:b + 1], W_in,
                                     row(b_in), row(g1), row(be1), wqt)
        g = _sc_gather(tab.reshape(N, TW), idx.reshape(NRB))
        outs.append(_attn_call(g, pr128[b:b + 1], qw, h,
                               wd1p, row(b_d1), wdlt, row(b_d2), bprr,
                               wkvt, row(g2), row(be2),
                               W_f1.T, row(b_f1), W_f2.T, row(b_f2)))
    return jnp.concatenate(outs, axis=0)

# --- scband reference (transcript-rebuilt; emitter-appended) ---
"""Pipeline reference for scband-ptblock-1726576853308 (READ-ONLY COPY).

The authoritative reference and input builder live on the scoring server;
editing this copy changes nothing except your own understanding.
"""

import jax, jax.numpy as jnp
import numpy as np

B, Cin, Cout, N, K = 2, 256, 256, 2048, 16


def setup_inputs(seed: int = 0):
    key = jax.random.key(seed)
    ks = jax.random.split(key, 20)
    def s(i, shape, scale=0.05):
        return jax.random.normal(ks[i], shape, dtype=jnp.float32) * scale
    return {
        'x': jax.random.normal(ks[0], (B, Cin, N), dtype=jnp.float32),
        'p': jax.random.normal(ks[1], (B, 3, N), dtype=jnp.float32),
        'W_in': s(2, (Cout, Cin)), 'b_in': s(3, (Cout,)),
        'g1': jnp.ones((Cout,), jnp.float32), 'be1': jnp.zeros((Cout,), jnp.float32),
        'g2': jnp.ones((Cout,), jnp.float32), 'be2': jnp.zeros((Cout,), jnp.float32),
        'W_q': s(4, (Cout, Cout)),
        'W_k': s(5, (Cout, Cout)),
        'W_v': s(6, (Cout, Cout)),
        'W_d1': s(7, (Cout, 3)), 'b_d1': s(8, (Cout,)),
        'W_d2': s(9, (Cout, Cout)), 'b_d2': s(10, (Cout,)),
        'W_al': s(11, (Cout, Cout)), 'b_al': s(12, (Cout,)),
        'W_f1': s(13, (4 * Cout, Cout)), 'b_f1': s(14, (4 * Cout,)),
        'W_f2': s(15, (Cout, 4 * Cout)), 'b_f2': s(16, (Cout,)),
    }


def _ln(h, g, b):
    ht = jnp.transpose(h, (0, 2, 1))
    mu = jnp.mean(ht, axis=-1, keepdims=True)
    var = jnp.var(ht, axis=-1, keepdims=True)
    y = (ht - mu) / jnp.sqrt(var + 1e-5) * g + b
    return jnp.transpose(y, (0, 2, 1))


def _c1(W, x, b=None):
    y = jnp.einsum('oc,bcn->bon', W, x)
    if b is not None:
        y = y + b[None, :, None]
    return y


def _c2(W, x, b=None):
    y = jnp.einsum('oc,bcnk->bonk', W, x)
    if b is not None:
        y = y + b[None, :, None, None]
    return y


def _knn_idx(p, k):
    xt = jnp.transpose(p, (0, 2, 1))
    inner = -2.0 * jnp.matmul(xt, jnp.transpose(xt, (0, 2, 1)))
    xx = jnp.sum(xt ** 2, axis=2, keepdims=True)
    dist = -xx - inner - jnp.transpose(xx, (0, 2, 1))
    n = p.shape[2]
    dist = dist - 1e9 * jnp.eye(n, dtype=dist.dtype)[None]
    return jax.lax.top_k(dist, k)[1]


def _forward(x, p, W_in, b_in, g1, be1, g2, be2, W_q, W_k, W_v, W_d1, b_d1, W_d2, b_d2, W_al, b_al, W_f1, b_f1, W_f2, b_f2):
    h = _c1(W_in, x, b_in)
    Bb, C, Nn = h.shape
    k = min(K, max(1, Nn - 1))
    h_n = _ln(h, g1, be1)
    idx = _knn_idx(p, k)
    base = jnp.arange(Bb)[:, None, None] * Nn
    flat = (idx + base).reshape(-1)
    k_all = jnp.transpose(_c1(W_k, h_n), (0, 2, 1))
    v_all = jnp.transpose(_c1(W_v, h_n), (0, 2, 1))
    k_j = jnp.transpose(k_all.reshape(Bb * Nn, C)[flat].reshape(Bb, Nn, k, C), (0, 3, 1, 2))
    v_j = jnp.transpose(v_all.reshape(Bb * Nn, C)[flat].reshape(Bb, Nn, k, C), (0, 3, 1, 2))
    p_t = jnp.transpose(p, (0, 2, 1))
    p_j = jnp.transpose(p_t.reshape(Bb * Nn, 3)[flat].reshape(Bb, Nn, k, 3), (0, 3, 1, 2))
    p_i = jnp.broadcast_to(p[:, :, :, None], (Bb, 3, Nn, k))
    d = _c2(W_d2, jax.nn.relu(_c2(W_d1, p_i - p_j, b_d1)), b_d2)
    q_i = jnp.broadcast_to(_c1(W_q, h_n)[:, :, :, None], (Bb, C, Nn, k))
    logits = _c2(W_al, q_i - k_j + d, b_al)
    a = jax.nn.softmax(logits, axis=-1)
    y = jnp.sum(a * (v_j + d), axis=-1)
    h = h + y
    h2 = _ln(h, g2, be2)
    h = h + _c1(W_f2, jax.nn.relu(_c1(W_f1, h2, b_f1)), b_f2)
    return h


def reference(x, p, W_in, b_in, g1, be1, g2, be2, W_q, W_k, W_v, W_d1, b_d1, W_d2, b_d2, W_al, b_al, W_f1, b_f1, W_f2, b_f2):
    return _forward(x, p, W_in, b_in, g1, be1, g2, be2, W_q, W_k, W_v, W_d1, b_d1, W_d2, b_d2, W_al, b_al, W_f1, b_f1, W_f2, b_f2)

if __name__ == "__main__":
    import jax
    _d = setup_inputs()
    print(jax.jit(kernel)(*tuple(_d.values())))

</pallas_src>

<mosaic_0001>
#map = affine_map<(d0, d1) -> (0, 0)>
#map1 = affine_map<(d0, d1) -> (0)>
module attributes {stable_mosaic.version = 14 : i64} {
  func.func @_gather_body(%arg0: i32, %arg1: i32, %arg2: memref<2048x256xi32, #tpu.memory_space<hbm>>, %arg3: memref<32768xi32, #tpu.memory_space<hbm>>, %arg4: memref<32768x256xi32, #tpu.memory_space<hbm>>, %arg5: memref<2x128xi32, #tpu.memory_space<vmem>>, %arg6: memref<2x128x256xi32, #tpu.memory_space<vmem>>, %arg7: memref<!tpu.dma_semaphore, #tpu.memory_space<semaphore_mem>>, %arg8: memref<!tpu.dma_semaphore, #tpu.memory_space<semaphore_mem>>) attributes {dimension_semantics = [#tpu.dimension_semantics<core_parallel>, #tpu.dimension_semantics<subcore_parallel>], iteration_bounds = array<i64: 2, 16>, scalar_prefetch = 0 : i64, scratch_operands = 4 : i64, tpu.core_type = #tpu.core_type<sc_vector_subcore>, window_params = [{transform_indices = #map}, {transform_indices = #map1}, {transform_indices = #map}]} {
    %mul3A = arith.constant 2 : i32
    %mul3A_0 = arith.muli %arg1, %mul3A : i32
    %add3A = arith.addi %mul3A_0, %arg0 : i32
    %scan3A = arith.constant 0 : i32
    %scan3A_1 = arith.constant 0 : i32
    %scan3A_2 = arith.constant 4 : i32
    %scan3A_3 = arith.addi %scan3A_1, %scan3A_2 : i32
    %scan3A_4 = arith.constant 1 : i32
    %scan3A_5 = scf.for %scan3A_7 = %scan3A_1 to %scan3A_3 step %scan3A_4 iter_args(%scan3A_8 = %scan3A) -> (i32)  : i32 {
      %mul3A_9 = arith.constant 1024 : i32
      %mul3A_10 = arith.muli %add3A, %mul3A_9 : i32
      %mul3A_11 = arith.constant 2 : i32
      %mul3A_12 = arith.muli %scan3A_7, %mul3A_11 : i32
      %add3A_13 = arith.constant 0 : i32
      %add3A_14 = arith.addi %mul3A_12, %add3A_13 : i32
      %mul3A_15 = arith.constant 128 : i32
      %mul3A_16 = arith.muli %add3A_14, %mul3A_15 : i32
      %add3A_17 = arith.addi %mul3A_10, %mul3A_16 : i32
      %run_scoped3A = arith.constant 0 : i32
      "tpu.region"() ({
        %run_scoped3A_77 = tpu.sem_alloc : memref<!tpu.dma_semaphore, #tpu.memory_space<semaphore_mem>>
        %dma_start3A_78 = arith.constant 0 : i32
        %dma_start3A_79 = tpu.memref_slice %arg5[%run_scoped3A, %dma_start3A_78] : memref<2x128xi32, #tpu.memory_space<vmem>> -> memref<1x128xi32, #tpu.memory_space<vmem>>
        %dma_start3A_80 = tpu.memref_squeeze %dma_start3A_79 : memref<1x128xi32, #tpu.memory_space<vmem>> -> memref<128xi32, #tpu.memory_space<vmem>>
        %dma_start3A_81 = tpu.memref_slice %arg3[%add3A_17] : memref<32768xi32, #tpu.memory_space<hbm>> -> memref<128xi32, #tpu.memory_space<hbm>>
        %dma_start3A_82 = arith.constant 0 : i32
        %dma_start3A_83 = tpu.memref_slice %arg5[%run_scoped3A, %dma_start3A_82] : memref<2x128xi32, #tpu.memory_space<vmem>> -> memref<1x128xi32, #tpu.memory_space<vmem>>
        %dma_start3A_84 = tpu.memref_squeeze %dma_start3A_83 : memref<1x128xi32, #tpu.memory_space<vmem>> -> memref<128xi32, #tpu.memory_space<vmem>>
        %dma_start3A_85 = tpu.memref_slice %arg3[%add3A_17] : memref<32768xi32, #tpu.memory_space<hbm>> -> memref<128xi32, #tpu.memory_space<hbm>>
        tpu.enqueue_dma source(%dma_start3A_85 : memref<128xi32, #tpu.memory_space<hbm>>) target(%dma_start3A_84 : memref<128xi32, #tpu.memory_space<vmem>>) target_semaphore(%run_scoped3A_77 : memref<!tpu.dma_semaphore, #tpu.memory_space<semaphore_mem>>)
        %dma_wait3A_86 = arith.constant 0 : i32
        %dma_wait3A_87 = tpu.memref_slice %arg5[%run_scoped3A, %dma_wait3A_86] : memref<2x128xi32, #tpu.memory_space<vmem>> -> memref<1x128xi32, #tpu.memory_space<vmem>>
        %dma_wait3A_88 = tpu.memref_squeeze %dma_wait3A_87 : memref<1x128xi32, #tpu.memory_space<vmem>> -> memref<128xi32, #tpu.memory_space<vmem>>
        %dma_wait3A_89 = tpu.memref_slice %arg3[%add3A_17] : memref<32768xi32, #tpu.memory_space<hbm>> -> memref<128xi32, #tpu.memory_space<hbm>>
        %dma_wait3A_90 = arith.constant 0 : i32
        %dma_wait3A_91 = tpu.memref_slice %arg5[%run_scoped3A, %dma_wait3A_90] : memref<2x128xi32, #tpu.memory_space<vmem>> -> memref<1x128xi32, #tpu.memory_space<vmem>>
        %dma_wait3A_92 = tpu.memref_squeeze %dma_wait3A_91 : memref<1x128xi32, #tpu.memory_space<vmem>> -> memref<128xi32, #tpu.memory_space<vmem>>
        %dma_wait3A_93 = tpu.memref_slice %arg3[%add3A_17] : memref<32768xi32, #tpu.memory_space<hbm>> -> memref<128xi32, #tpu.memory_space<hbm>>
        tpu.wait_dma2 semaphore(%run_scoped3A_77 : memref<!tpu.dma_semaphore, #tpu.memory_space<semaphore_mem>>) src(%dma_wait3A_93 : memref<128xi32, #tpu.memory_space<hbm>>) dst(%dma_wait3A_92 : memref<128xi32, #tpu.memory_space<vmem>>)
        tpu.yield
      }) : () -> ()
      %dma_start3A = arith.constant 0 : i32
      %dma_start3A_18 = arith.constant 0 : i32
      %dma_start3A_19 = arith.constant 0 : i32
      %dma_start3A_20 = arith.constant 0 : i32
      %dma_start3A_21 = tpu.memref_slice %arg6[%dma_start3A_18, %dma_start3A_19, %dma_start3A_20] : memref<2x128x256xi32, #tpu.memory_space<vmem>> -> memref<1x128x256xi32, #tpu.memory_space<vmem>>
      %dma_start3A_22 = tpu.memref_squeeze %dma_start3A_21 : memref<1x128x256xi32, #tpu.memory_space<vmem>> -> memref<128x256xi32, #tpu.memory_space<vmem>>
      %dma_start3A_23 = arith.constant 0 : i32
      %dma_start3A_24 = tpu.memref_slice %arg5[%dma_start3A, %dma_start3A_23] : memref<2x128xi32, #tpu.memory_space<vmem>> -> memref<1x128xi32, #tpu.memory_space<vmem>>
      %dma_start3A_25 = tpu.memref_squeeze %dma_start3A_24 : memref<1x128xi32, #tpu.memory_space<vmem>> -> memref<128xi32, #tpu.memory_space<vmem>>
      %dma_start3A_26 = arith.constant 0 : i32
      %dma_start3A_27 = arith.constant 0 : i32
      %dma_start3A_28 = tpu.memref_slice %arg2[%dma_start3A_26, %dma_start3A_27] : memref<2048x256xi32, #tpu.memory_space<hbm>> -> memref<2048x256xi32, #tpu.memory_space<hbm>>
      tpu.enqueue_indirect_dma source(%dma_start3A_28 : memref<2048x256xi32, #tpu.memory_space<hbm>>) target(%dma_start3A_22 : memref<128x256xi32, #tpu.memory_space<vmem>>) offsets(%dma_start3A_25 : memref<128xi32, #tpu.memory_space<vmem>>) semaphore(%arg7 : memref<!tpu.dma_semaphore, #tpu.memory_space<semaphore_mem>>)
      %mul3A_29 = arith.constant 1024 : i32
      %mul3A_30 = arith.muli %add3A, %mul3A_29 : i32
      %mul3A_31 = arith.constant 2 : i32
      %mul3A_32 = arith.muli %scan3A_7, %mul3A_31 : i32
      %add3A_33 = arith.constant 1 : i32
      %add3A_34 = arith.addi %mul3A_32, %add3A_33 : i32
      %mul3A_35 = arith.constant 128 : i32
      %mul3A_36 = arith.muli %add3A_34, %mul3A_35 : i32
      %add3A_37 = arith.addi %mul3A_30, %mul3A_36 : i32
      %run_scoped3A_38 = arith.constant 1 : i32
      "tpu.region"() ({
        %run_scoped3A_77 = tpu.sem_alloc : memref<!tpu.dma_semaphore, #tpu.memory_space<semaphore_mem>>
        %dma_start3A_78 = arith.constant 0 : i32
        %dma_start3A_79 = tpu.memref_slice %arg5[%run_scoped3A_38, %dma_start3A_78] : memref<2x128xi32, #tpu.memory_space<vmem>> -> memref<1x128xi32, #tpu.memory_space<vmem>>
        %dma_start3A_80 = tpu.memref_squeeze %dma_start3A_79 : memref<1x128xi32, #tpu.memory_space<vmem>> -> memref<128xi32, #tpu.memory_space<vmem>>
        %dma_start3A_81 = tpu.memref_slice %arg3[%add3A_37] : memref<32768xi32, #tpu.memory_space<hbm>> -> memref<128xi32, #tpu.memory_space<hbm>>
        %dma_start3A_82 = arith.constant 0 : i32
        %dma_start3A_83 = tpu.memref_slice %arg5[%run_scoped3A_38, %dma_start3A_82] : memref<2x128xi32, #tpu.memory_space<vmem>> -> memref<1x128xi32, #tpu.memory_space<vmem>>
        %dma_start3A_84 = tpu.memref_squeeze %dma_start3A_83 : memref<1x128xi32, #tpu.memory_space<vmem>> -> memref<128xi32, #tpu.memory_space<vmem>>
        %dma_start3A_85 = tpu.memref_slice %arg3[%add3A_37] : memref<32768xi32, #tpu.memory_space<hbm>> -> memref<128xi32, #tpu.memory_space<hbm>>
        tpu.enqueue_dma source(%dma_start3A_85 : memref<128xi32, #tpu.memory_space<hbm>>) target(%dma_start3A_84 : memref<128xi32, #tpu.memory_space<vmem>>) target_semaphore(%run_scoped3A_77 : memref<!tpu.dma_semaphore, #tpu.memory_space<semaphore_mem>>)
        %dma_wait3A_86 = arith.constant 0 : i32
        %dma_wait3A_87 = tpu.memref_slice %arg5[%run_scoped3A_38, %dma_wait3A_86] : memref<2x128xi32, #tpu.memory_space<vmem>> -> memref<1x128xi32, #tpu.memory_space<vmem>>
        %dma_wait3A_88 = tpu.memref_squeeze %dma_wait3A_87 : memref<1x128xi32, #tpu.memory_space<vmem>> -> memref<128xi32, #tpu.memory_space<vmem>>
        %dma_wait3A_89 = tpu.memref_slice %arg3[%add3A_37] : memref<32768xi32, #tpu.memory_space<hbm>> -> memref<128xi32, #tpu.memory_space<hbm>>
        %dma_wait3A_90 = arith.constant 0 : i32
        %dma_wait3A_91 = tpu.memref_slice %arg5[%run_scoped3A_38, %dma_wait3A_90] : memref<2x128xi32, #tpu.memory_space<vmem>> -> memref<1x128xi32, #tpu.memory_space<vmem>>
        %dma_wait3A_92 = tpu.memref_squeeze %dma_wait3A_91 : memref<1x128xi32, #tpu.memory_space<vmem>> -> memref<128xi32, #tpu.memory_space<vmem>>
        %dma_wait3A_93 = tpu.memref_slice %arg3[%add3A_37] : memref<32768xi32, #tpu.memory_space<hbm>> -> memref<128xi32, #tpu.memory_space<hbm>>
        tpu.wait_dma2 semaphore(%run_scoped3A_77 : memref<!tpu.dma_semaphore, #tpu.memory_space<semaphore_mem>>) src(%dma_wait3A_93 : memref<128xi32, #tpu.memory_space<hbm>>) dst(%dma_wait3A_92 : memref<128xi32, #tpu.memory_space<vmem>>)
        tpu.yield
      }) : () -> ()
      %dma_start3A_39 = arith.constant 1 : i32
      %dma_start3A_40 = arith.constant 1 : i32
      %dma_start3A_41 = arith.constant 0 : i32
      %dma_start3A_42 = arith.constant 0 : i32
      %dma_start3A_43 = tpu.memref_slice %arg6[%dma_start3A_40, %dma_start3A_41, %dma_start3A_42] : memref<2x128x256xi32, #tpu.memory_space<vmem>> -> memref<1x128x256xi32, #tpu.memory_space<vmem>>
      %dma_start3A_44 = tpu.memref_squeeze %dma_start3A_43 : memref<1x128x256xi32, #tpu.memory_space<vmem>> -> memref<128x256xi32, #tpu.memory_space<vmem>>
      %dma_start3A_45 = arith.constant 0 : i32
      %dma_start3A_46 = tpu.memref_slice %arg5[%dma_start3A_39, %dma_start3A_45] : memref<2x128xi32, #tpu.memory_space<vmem>> -> memref<1x128xi32, #tpu.memory_space<vmem>>
      %dma_start3A_47 = tpu.memref_squeeze %dma_start3A_46 : memref<1x128xi32, #tpu.memory_space<vmem>> -> memref<128xi32, #tpu.memory_space<vmem>>
      %dma_start3A_48 = arith.constant 0 : i32
      %dma_start3A_49 = arith.constant 0 : i32
      %dma_start3A_50 = tpu.memref_slice %arg2[%dma_start3A_48, %dma_start3A_49] : memref<2048x256xi32, #tpu.memory_space<hbm>> -> memref<2048x256xi32, #tpu.memory_space<hbm>>
      tpu.enqueue_indirect_dma source(%dma_start3A_50 : memref<2048x256xi32, #tpu.memory_space<hbm>>) target(%dma_start3A_44 : memref<128x256xi32, #tpu.memory_space<vmem>>) offsets(%dma_start3A_47 : memref<128xi32, #tpu.memory_space<vmem>>) semaphore(%arg8 : memref<!tpu.dma_semaphore, #tpu.memory_space<semaphore_mem>>)
      %dma_wait3A = arith.constant 0 : i32
      %dma_wait3A_51 = arith.constant 0 : i32
      %dma_wait3A_52 = arith.constant 0 : i32
      %dma_wait3A_53 = arith.constant 0 : i32
      %dma_wait3A_54 = tpu.memref_slice %arg6[%dma_wait3A_51, %dma_wait3A_52, %dma_wait3A_53] : memref<2x128x256xi32, #tpu.memory_space<vmem>> -> memref<1x128x256xi32, #tpu.memory_space<vmem>>
      %dma_wait3A_55 = tpu.memref_squeeze %dma_wait3A_54 : memref<1x128x256xi32, #tpu.memory_space<vmem>> -> memref<128x256xi32, #tpu.memory_space<vmem>>
      %dma_wait3A_56 = arith.constant 0 : i32
      %dma_wait3A_57 = tpu.memref_slice %arg5[%dma_wait3A, %dma_wait3A_56] : memref<2x128xi32, #tpu.memory_space<vmem>> -> memref<1x128xi32, #tpu.memory_space<vmem>>
      %dma_wait3A_58 = tpu.memref_squeeze %dma_wait3A_57 : memref<1x128xi32, #tpu.memory_space<vmem>> -> memref<128xi32, #tpu.memory_space<vmem>>
      %dma_wait3A_59 = arith.constant 0 : i32
      %dma_wait3A_60 = arith.constant 0 : i32
      %dma_wait3A_61 = tpu.memref_slice %arg2[%dma_wait3A_59, %dma_wait3A_60] : memref<2048x256xi32, #tpu.memory_space<hbm>> -> memref<2048x256xi32, #tpu.memory_space<hbm>>
      tpu.wait_indirect_dma semaphore(%arg7 : memref<!tpu.dma_semaphore, #tpu.memory_space<semaphore_mem>>) src(%dma_wait3A_61 : memref<2048x256xi32, #tpu.memory_space<hbm>>) dst(%dma_wait3A_55 : memref<128x256xi32, #tpu.memory_space<vmem>>)
      %run_scoped3A_62 = arith.constant 0 : i32
      "tpu.region"() ({
        %run_scoped3A_77 = tpu.sem_alloc : memref<!tpu.dma_semaphore, #tpu.memory_space<semaphore_mem>>
        %dma_start3A_78 = arith.constant 0 : i32
        %dma_start3A_79 = arith.constant 0 : i32
        %dma_start3A_80 = tpu.memref_slice %arg6[%run_scoped3A_62, %dma_start3A_78, %dma_start3A_79] : memref<2x128x256xi32, #tpu.memory_space<vmem>> -> memref<1x128x256xi32, #tpu.memory_space<vmem>>
        %dma_start3A_81 = tpu.memref_squeeze %dma_start3A_80 : memref<1x128x256xi32, #tpu.memory_space<vmem>> -> memref<128x256xi32, #tpu.memory_space<vmem>>
        %dma_start3A_82 = arith.constant 0 : i32
        %dma_start3A_83 = tpu.memref_slice %arg4[%add3A_17, %dma_start3A_82] : memref<32768x256xi32, #tpu.memory_space<hbm>> -> memref<128x256xi32, #tpu.memory_space<hbm>>
        %dma_start3A_84 = arith.constant 0 : i32
        %dma_start3A_85 = tpu.memref_slice %arg4[%add3A_17, %dma_start3A_84] : memref<32768x256xi32, #tpu.memory_space<hbm>> -> memref<128x256xi32, #tpu.memory_space<hbm>>
        %dma_start3A_86 = arith.constant 0 : i32
        %dma_start3A_87 = arith.constant 0 : i32
        %dma_start3A_88 = tpu.memref_slice %arg6[%run_scoped3A_62, %dma_start3A_86, %dma_start3A_87] : memref<2x128x256xi32, #tpu.memory_space<vmem>> -> memref<1x128x256xi32, #tpu.memory_space<vmem>>
        %dma_start3A_89 = tpu.memref_squeeze %dma_start3A_88 : memref<1x128x256xi32, #tpu.memory_space<vmem>> -> memref<128x256xi32, #tpu.memory_space<vmem>>
        tpu.enqueue_dma source(%dma_start3A_89 : memref<128x256xi32, #tpu.memory_space<vmem>>) target(%dma_start3A_85 : memref<128x256xi32, #tpu.memory_space<hbm>>) target_semaphore(%run_scoped3A_77 : memref<!tpu.dma_semaphore, #tpu.memory_space<semaphore_mem>>)
        %dma_wait3A_90 = arith.constant 0 : i32
        %dma_wait3A_91 = arith.constant 0 : i32
        %dma_wait3A_92 = tpu.memref_slice %arg6[%run_scoped3A_62, %dma_wait3A_90, %dma_wait3A_91] : memref<2x128x256xi32, #tpu.memory_space<vmem>> -> memref<1x128x256xi32, #tpu.memory_space<vmem>>
        %dma_wait3A_93 = tpu.memref_squeeze %dma_wait3A_92 : memref<1x128x256xi32, #tpu.memory_space<vmem>> -> memref<128x256xi32, #tpu.memory_space<vmem>>
        %dma_wait3A_94 = arith.constant 0 : i32
        %dma_wait3A_95 = tpu.memref_slice %arg4[%add3A_17, %dma_wait3A_94] : memref<32768x256xi32, #tpu.memory_space<hbm>> -> memref<128x256xi32, #tpu.memory_space<hbm>>
        %dma_wait3A_96 = arith.constant 0 : i32
        %dma_wait3A_97 = tpu.memref_slice %arg4[%add3A_17, %dma_wait3A_96] : memref<32768x256xi32, #tpu.memory_space<hbm>> -> memref<128x256xi32, #tpu.memory_space<hbm>>
        %dma_wait3A_98 = arith.constant 0 : i32
        %dma_wait3A_99 = arith.constant 0 : i32
        %dma_wait3A_100 = tpu.memref_slice %arg6[%run_scoped3A_62, %dma_wait3A_98, %dma_wait3A_99] : memref<2x128x256xi32, #tpu.memory_space<vmem>> -> memref<1x128x256xi32, #tpu.memory_space<vmem>>
        %dma_wait3A_101 = tpu.memref_squeeze %dma_wait3A_100 : memref<1x128x256xi32, #tpu.memory_space<vmem>> -> memref<128x256xi32, #tpu.memory_space<vmem>>
        tpu.wait_dma2 semaphore(%run_scoped3A_77 : memref<!tpu.dma_semaphore, #tpu.memory_space<semaphore_mem>>) src(%dma_wait3A_101 : memref<128x256xi32, #tpu.memory_space<vmem>>) dst(%dma_wait3A_97 : memref<128x256xi32, #tpu.memory_space<hbm>>)
        tpu.yield
      }) : () -> ()
      %dma_wait3A_63 = arith.constant 1 : i32
      %dma_wait3A_64 = arith.constant 1 : i32
      %dma_wait3A_65 = arith.constant 0 : i32
      %dma_wait3A_66 = arith.constant 0 : i32
      %dma_wait3A_67 = tpu.memref_slice %arg6[%dma_wait3A_64, %dma_wait3A_65, %dma_wait3A_66] : memref<2x128x256xi32, #tpu.memory_space<vmem>> -> memref<1x128x256xi32, #tpu.memory_space<vmem>>
      %dma_wait3A_68 = tpu.memref_squeeze %dma_wait3A_67 : memref<1x128x256xi32, #tpu.memory_space<vmem>> -> memref<128x256xi32, #tpu.memory_space<vmem>>
      %dma_wait3A_69 = arith.constant 0 : i32
      %dma_wait3A_70 = tpu.memref_slice %arg5[%dma_wait3A_63, %dma_wait3A_69] : memref<2x128xi32, #tpu.memory_space<vmem>> -> memref<1x128xi32, #tpu.memory_space<vmem>>
      %dma_wait3A_71 = tpu.memref_squeeze %dma_wait3A_70 : memref<1x128xi32, #tpu.memory_space<vmem>> -> memref<128xi32, #tpu.memory_space<vmem>>
      %dma_wait3A_72 = arith.constant 0 : i32
      %dma_wait3A_73 = arith.constant 0 : i32
      %dma_wait3A_74 = tpu.memref_slice %arg2[%dma_wait3A_72, %dma_wait3A_73] : memref<2048x256xi32, #tpu.memory_space<hbm>> -> memref<2048x256xi32, #tpu.memory_space<hbm>>
      tpu.wait_indirect_dma semaphore(%arg8 : memref<!tpu.dma_semaphore, #tpu.memory_space<semaphore_mem>>) src(%dma_wait3A_74 : memref<2048x256xi32, #tpu.memory_space<hbm>>) dst(%dma_wait3A_68 : memref<128x256xi32, #tpu.memory_space<vmem>>)
      %run_scoped3A_75 = arith.constant 1 : i32
      "tpu.region"() ({
        %run_scoped3A_77 = tpu.sem_alloc : memref<!tpu.dma_semaphore, #tpu.memory_space<semaphore_mem>>
        %dma_start3A_78 = arith.constant 0 : i32
        %dma_start3A_79 = arith.constant 0 : i32
        %dma_start3A_80 = tpu.memref_slice %arg6[%run_scoped3A_75, %dma_start3A_78, %dma_start3A_79] : memref<2x128x256xi32, #tpu.memory_space<vmem>> -> memref<1x128x256xi32, #tpu.memory_space<vmem>>
        %dma_start3A_81 = tpu.memref_squeeze %dma_start3A_80 : memref<1x128x256xi32, #tpu.memory_space<vmem>> -> memref<128x256xi32, #tpu.memory_space<vmem>>
        %dma_start3A_82 = arith.constant 0 : i32
        %dma_start3A_83 = tpu.memref_slice %arg4[%add3A_37, %dma_start3A_82] : memref<32768x256xi32, #tpu.memory_space<hbm>> -> memref<128x256xi32, #tpu.memory_space<hbm>>
        %dma_start3A_84 = arith.constant 0 : i32
        %dma_start3A_85 = tpu.memref_slice %arg4[%add3A_37, %dma_start3A_84] : memref<32768x256xi32, #tpu.memory_space<hbm>> -> memref<128x256xi32, #tpu.memory_space<hbm>>
        %dma_start3A_86 = arith.constant 0 : i32
        %dma_start3A_87 = arith.constant 0 : i32
        %dma_start3A_88 = tpu.memref_slice %arg6[%run_scoped3A_75, %dma_start3A_86, %dma_start3A_87] : memref<2x128x256xi32, #tpu.memory_space<vmem>> -> memref<1x128x256xi32, #tpu.memory_space<vmem>>
        %dma_start3A_89 = tpu.memref_squeeze %dma_start3A_88 : memref<1x128x256xi32, #tpu.memory_space<vmem>> -> memref<128x256xi32, #tpu.memory_space<vmem>>
        tpu.enqueue_dma source(%dma_start3A_89 : memref<128x256xi32, #tpu.memory_space<vmem>>) target(%dma_start3A_85 : memref<128x256xi32, #tpu.memory_space<hbm>>) target_semaphore(%run_scoped3A_77 : memref<!tpu.dma_semaphore, #tpu.memory_space<semaphore_mem>>)
        %dma_wait3A_90 = arith.constant 0 : i32
        %dma_wait3A_91 = arith.constant 0 : i32
        %dma_wait3A_92 = tpu.memref_slice %arg6[%run_scoped3A_75, %dma_wait3A_90, %dma_wait3A_91] : memref<2x128x256xi32, #tpu.memory_space<vmem>> -> memref<1x128x256xi32, #tpu.memory_space<vmem>>
        %dma_wait3A_93 = tpu.memref_squeeze %dma_wait3A_92 : memref<1x128x256xi32, #tpu.memory_space<vmem>> -> memref<128x256xi32, #tpu.memory_space<vmem>>
        %dma_wait3A_94 = arith.constant 0 : i32
        %dma_wait3A_95 = tpu.memref_slice %arg4[%add3A_37, %dma_wait3A_94] : memref<32768x256xi32, #tpu.memory_space<hbm>> -> memref<128x256xi32, #tpu.memory_space<hbm>>
        %dma_wait3A_96 = arith.constant 0 : i32
        %dma_wait3A_97 = tpu.memref_slice %arg4[%add3A_37, %dma_wait3A_96] : memref<32768x256xi32, #tpu.memory_space<hbm>> -> memref<128x256xi32, #tpu.memory_space<hbm>>
        %dma_wait3A_98 = arith.constant 0 : i32
        %dma_wait3A_99 = arith.constant 0 : i32
        %dma_wait3A_100 = tpu.memref_slice %arg6[%run_scoped3A_75, %dma_wait3A_98, %dma_wait3A_99] : memref<2x128x256xi32, #tpu.memory_space<vmem>> -> memref<1x128x256xi32, #tpu.memory_space<vmem>>
        %dma_wait3A_101 = tpu.memref_squeeze %dma_wait3A_100 : memref<1x128x256xi32, #tpu.memory_space<vmem>> -> memref<128x256xi32, #tpu.memory_space<vmem>>
        tpu.wait_dma2 semaphore(%run_scoped3A_77 : memref<!tpu.dma_semaphore, #tpu.memory_space<semaphore_mem>>) src(%dma_wait3A_101 : memref<128x256xi32, #tpu.memory_space<vmem>>) dst(%dma_wait3A_97 : memref<128x256xi32, #tpu.memory_space<hbm>>)
        tpu.yield
      }) : () -> ()
      %scan3A_76 = arith.constant 0 : i32
      scf.yield %scan3A_76 : i32
    }
    %scan3A_6 = arith.constant 4 : i32
    return
  }
}

#map = affine_map<(d0, d1) -> (0, 0)>
#map1 = affine_map<(d0, d1) -> (0)>
module attributes {stable_mosaic.version = 14 : i64} {
  func.func @_gather_body(%arg0: i32, %arg1: i32, %arg2: memref<2048x256xi32, #tpu.memory_space<hbm>>, %arg3: memref<32768xi32, #tpu.memory_space<hbm>>, %arg4: memref<32768x256xi32, #tpu.memory_space<hbm>>, %arg5: memref<2x128xi32, #tpu.memory_space<vmem>>, %arg6: memref<2x128x256xi32, #tpu.memory_space<vmem>>, %arg7: memref<!tpu.dma_semaphore, #tpu.memory_space<semaphore_mem>>, %arg8: memref<!tpu.dma_semaphore, #tpu.memory_space<semaphore_mem>>) attributes {dimension_semantics = [#tpu.dimension_semantics<core_parallel>, #tpu.dimension_semantics<subcore_parallel>], iteration_bounds = array<i64: 2, 16>, scalar_prefetch = 0 : i64, scratch_operands = 4 : i64, tpu.core_type = #tpu.core_type<sc_vector_subcore>, window_params = [{transform_indices = #map}, {transform_indices = #map1}, {transform_indices = #map}]} {
    %mul3A = arith.constant 2 : i32
    %mul3A_0 = arith.muli %arg1, %mul3A : i32
    %add3A = arith.addi %mul3A_0, %arg0 : i32
    %scan3A = arith.constant 0 : i32
    %scan3A_1 = arith.constant 0 : i32
    %scan3A_2 = arith.constant 4 : i32
    %scan3A_3 = arith.addi %scan3A_1, %scan3A_2 : i32
    %scan3A_4 = arith.constant 1 : i32
    %scan3A_5 = scf.for %scan3A_7 = %scan3A_1 to %scan3A_3 step %scan3A_4 iter_args(%scan3A_8 = %scan3A) -> (i32)  : i32 {
      %mul3A_9 = arith.constant 1024 : i32
      %mul3A_10 = arith.muli %add3A, %mul3A_9 : i32
      %mul3A_11 = arith.constant 2 : i32
      %mul3A_12 = arith.muli %scan3A_7, %mul3A_11 : i32
      %add3A_13 = arith.constant 0 : i32
      %add3A_14 = arith.addi %mul3A_12, %add3A_13 : i32
      %mul3A_15 = arith.constant 128 : i32
      %mul3A_16 = arith.muli %add3A_14, %mul3A_15 : i32
      %add3A_17 = arith.addi %mul3A_10, %mul3A_16 : i32
      %run_scoped3A = arith.constant 0 : i32
      "tpu.region"() ({
        %run_scoped3A_77 = tpu.sem_alloc : memref<!tpu.dma_semaphore, #tpu.memory_space<semaphore_mem>>
        %dma_start3A_78 = arith.constant 0 : i32
        %dma_start3A_79 = tpu.memref_slice %arg5[%run_scoped3A, %dma_start3A_78] : memref<2x128xi32, #tpu.memory_space<vmem>> -> memref<1x128xi32, #tpu.memory_space<vmem>>
        %dma_start3A_80 = tpu.memref_squeeze %dma_start3A_79 : memref<1x128xi32, #tpu.memory_space<vmem>> -> memref<128xi32, #tpu.memory_space<vmem>>
        %dma_start3A_81 = tpu.memref_slice %arg3[%add3A_17] : memref<32768xi32, #tpu.memory_space<hbm>> -> memref<128xi32, #tpu.memory_space<hbm>>
        %dma_start3A_82 = arith.constant 0 : i32
        %dma_start3A_83 = tpu.memref_slice %arg5[%run_scoped3A, %dma_start3A_82] : memref<2x128xi32, #tpu.memory_space<vmem>> -> memref<1x128xi32, #tpu.memory_space<vmem>>
        %dma_start3A_84 = tpu.memref_squeeze %dma_start3A_83 : memref<1x128xi32, #tpu.memory_space<vmem>> -> memref<128xi32, #tpu.memory_space<vmem>>
        %dma_start3A_85 = tpu.memref_slice %arg3[%add3A_17] : memref<32768xi32, #tpu.memory_space<hbm>> -> memref<128xi32, #tpu.memory_space<hbm>>
        tpu.enqueue_dma source(%dma_start3A_85 : memref<128xi32, #tpu.memory_space<hbm>>) target(%dma_start3A_84 : memref<128xi32, #tpu.memory_space<vmem>>) target_semaphore(%run_scoped3A_77 : memref<!tpu.dma_semaphore, #tpu.memory_space<semaphore_mem>>)
        %dma_wait3A_86 = arith.constant 0 : i32
        %dma_wait3A_87 = tpu.memref_slice %arg5[%run_scoped3A, %dma_wait3A_86] : memref<2x128xi32, #tpu.memory_space<vmem>> -> memref<1x128xi32, #tpu.memory_space<vmem>>
        %dma_wait3A_88 = tpu.memref_squeeze %dma_wait3A_87 : memref<1x128xi32, #tpu.memory_space<vmem>> -> memref<128xi32, #tpu.memory_space<vmem>>
        %dma_wait3A_89 = tpu.memref_slice %arg3[%add3A_17] : memref<32768xi32, #tpu.memory_space<hbm>> -> memref<128xi32, #tpu.memory_space<hbm>>
        %dma_wait3A_90 = arith.constant 0 : i32
        %dma_wait3A_91 = tpu.memref_slice %arg5[%run_scoped3A, %dma_wait3A_90] : memref<2x128xi32, #tpu.memory_space<vmem>> -> memref<1x128xi32, #tpu.memory_space<vmem>>
        %dma_wait3A_92 = tpu.memref_squeeze %dma_wait3A_91 : memref<1x128xi32, #tpu.memory_space<vmem>> -> memref<128xi32, #tpu.memory_space<vmem>>
        %dma_wait3A_93 = tpu.memref_slice %arg3[%add3A_17] : memref<32768xi32, #tpu.memory_space<hbm>> -> memref<128xi32, #tpu.memory_space<hbm>>
        tpu.wait_dma2 semaphore(%run_scoped3A_77 : memref<!tpu.dma_semaphore, #tpu.memory_space<semaphore_mem>>) src(%dma_wait3A_93 : memref<128xi32, #tpu.memory_space<hbm>>) dst(%dma_wait3A_92 : memref<128xi32, #tpu.memory_space<vmem>>)
        tpu.yield
      }) : () -> ()
      %dma_start3A = arith.constant 0 : i32
      %dma_start3A_18 = arith.constant 0 : i32
      %dma_start3A_19 = arith.constant 0 : i32
      %dma_start3A_20 = arith.constant 0 : i32
      %dma_start3A_21 = tpu.memref_slice %arg6[%dma_start3A_18, %dma_start3A_19, %dma_start3A_20] : memref<2x128x256xi32, #tpu.memory_space<vmem>> -> memref<1x128x256xi32, #tpu.memory_space<vmem>>
      %dma_start3A_22 = tpu.memref_squeeze %dma_start3A_21 : memref<1x128x256xi32, #tpu.memory_space<vmem>> -> memref<128x256xi32, #tpu.memory_space<vmem>>
      %dma_start3A_23 = arith.constant 0 : i32
      %dma_start3A_24 = tpu.memref_slice %arg5[%dma_start3A, %dma_start3A_23] : memref<2x128xi32, #tpu.memory_space<vmem>> -> memref<1x128xi32, #tpu.memory_space<vmem>>
      %dma_start3A_25 = tpu.memref_squeeze %dma_start3A_24 : memref<1x128xi32, #tpu.memory_space<vmem>> -> memref<128xi32, #tpu.memory_space<vmem>>
      %dma_start3A_26 = arith.constant 0 : i32
      %dma_start3A_27 = arith.constant 0 : i32
      %dma_start3A_28 = tpu.memref_slice %arg2[%dma_start3A_26, %dma_start3A_27] : memref<2048x256xi32, #tpu.memory_space<hbm>> -> memref<2048x256xi32, #tpu.memory_space<hbm>>
      tpu.enqueue_indirect_dma source(%dma_start3A_28 : memref<2048x256xi32, #tpu.memory_space<hbm>>) target(%dma_start3A_22 : memref<128x256xi32, #tpu.memory_space<vmem>>) offsets(%dma_start3A_25 : memref<128xi32, #tpu.memory_space<vmem>>) semaphore(%arg7 : memref<!tpu.dma_semaphore, #tpu.memory_space<semaphore_mem>>)
      %mul3A_29 = arith.constant 1024 : i32
      %mul3A_30 = arith.muli %add3A, %mul3A_29 : i32
      %mul3A_31 = arith.constant 2 : i32
      %mul3A_32 = arith.muli %scan3A_7, %mul3A_31 : i32
      %add3A_33 = arith.constant 1 : i32
      %add3A_34 = arith.addi %mul3A_32, %add3A_33 : i32
      %mul3A_35 = arith.constant 128 : i32
      %mul3A_36 = arith.muli %add3A_34, %mul3A_35 : i32
      %add3A_37 = arith.addi %mul3A_30, %mul3A_36 : i32
      %run_scoped3A_38 = arith.constant 1 : i32
      "tpu.region"() ({
        %run_scoped3A_77 = tpu.sem_alloc : memref<!tpu.dma_semaphore, #tpu.memory_space<semaphore_mem>>
        %dma_start3A_78 = arith.constant 0 : i32
        %dma_start3A_79 = tpu.memref_slice %arg5[%run_scoped3A_38, %dma_start3A_78] : memref<2x128xi32, #tpu.memory_space<vmem>> -> memref<1x128xi32, #tpu.memory_space<vmem>>
        %dma_start3A_80 = tpu.memref_squeeze %dma_start3A_79 : memref<1x128xi32, #tpu.memory_space<vmem>> -> memref<128xi32, #tpu.memory_space<vmem>>
        %dma_start3A_81 = tpu.memref_slice %arg3[%add3A_37] : memref<32768xi32, #tpu.memory_space<hbm>> -> memref<128xi32, #tpu.memory_space<hbm>>
        %dma_start3A_82 = arith.constant 0 : i32
        %dma_start3A_83 = tpu.memref_slice %arg5[%run_scoped3A_38, %dma_start3A_82] : memref<2x128xi32, #tpu.memory_space<vmem>> -> memref<1x128xi32, #tpu.memory_space<vmem>>
        %dma_start3A_84 = tpu.memref_squeeze %dma_start3A_83 : memref<1x128xi32, #tpu.memory_space<vmem>> -> memref<128xi32, #tpu.memory_space<vmem>>
        %dma_start3A_85 = tpu.memref_slice %arg3[%add3A_37] : memref<32768xi32, #tpu.memory_space<hbm>> -> memref<128xi32, #tpu.memory_space<hbm>>
        tpu.enqueue_dma source(%dma_start3A_85 : memref<128xi32, #tpu.memory_space<hbm>>) target(%dma_start3A_84 : memref<128xi32, #tpu.memory_space<vmem>>) target_semaphore(%run_scoped3A_77 : memref<!tpu.dma_semaphore, #tpu.memory_space<semaphore_mem>>)
        %dma_wait3A_86 = arith.constant 0 : i32
        %dma_wait3A_87 = tpu.memref_slice %arg5[%run_scoped3A_38, %dma_wait3A_86] : memref<2x128xi32, #tpu.memory_space<vmem>> -> memref<1x128xi32, #tpu.memory_space<vmem>>
        %dma_wait3A_88 = tpu.memref_squeeze %dma_wait3A_87 : memref<1x128xi32, #tpu.memory_space<vmem>> -> memref<128xi32, #tpu.memory_space<vmem>>
        %dma_wait3A_89 = tpu.memref_slice %arg3[%add3A_37] : memref<32768xi32, #tpu.memory_space<hbm>> -> memref<128xi32, #tpu.memory_space<hbm>>
        %dma_wait3A_90 = arith.constant 0 : i32
        %dma_wait3A_91 = tpu.memref_slice %arg5[%run_scoped3A_38, %dma_wait3A_90] : memref<2x128xi32, #tpu.memory_space<vmem>> -> memref<1x128xi32, #tpu.memory_space<vmem>>
        %dma_wait3A_92 = tpu.memref_squeeze %dma_wait3A_91 : memref<1x128xi32, #tpu.memory_space<vmem>> -> memref<128xi32, #tpu.memory_space<vmem>>
        %dma_wait3A_93 = tpu.memref_slice %arg3[%add3A_37] : memref<32768xi32, #tpu.memory_space<hbm>> -> memref<128xi32, #tpu.memory_space<hbm>>
        tpu.wait_dma2 semaphore(%run_scoped3A_77 : memref<!tpu.dma_semaphore, #tpu.memory_space<semaphore_mem>>) src(%dma_wait3A_93 : memref<128xi32, #tpu.memory_space<hbm>>) dst(%dma_wait3A_92 : memref<128xi32, #tpu.memory_space<vmem>>)
        tpu.yield
      }) : () -> ()
      %dma_start3A_39 = arith.constant 1 : i32
      %dma_start3A_40 = arith.constant 1 : i32
      %dma_start3A_41 = arith.constant 0 : i32
      %dma_start3A_42 = arith.constant 0 : i32
      %dma_start3A_43 = tpu.memref_slice %arg6[%dma_start3A_40, %dma_start3A_41, %dma_start3A_42] : memref<2x128x256xi32, #tpu.memory_space<vmem>> -> memref<1x128x256xi32, #tpu.memory_space<vmem>>
      %dma_start3A_44 = tpu.memref_squeeze %dma_start3A_43 : memref<1x128x256xi32, #tpu.memory_space<vmem>> -> memref<128x256xi32, #tpu.memory_space<vmem>>
      %dma_start3A_45 = arith.constant 0 : i32
      %dma_start3A_46 = tpu.memref_slice %arg5[%dma_start3A_39, %dma_start3A_45] : memref<2x128xi32, #tpu.memory_space<vmem>> -> memref<1x128xi32, #tpu.memory_space<vmem>>
      %dma_start3A_47 = tpu.memref_squeeze %dma_start3A_46 : memref<1x128xi32, #tpu.memory_space<vmem>> -> memref<128xi32, #tpu.memory_space<vmem>>
      %dma_start3A_48 = arith.constant 0 : i32
      %dma_start3A_49 = arith.constant 0 : i32
      %dma_start3A_50 = tpu.memref_slice %arg2[%dma_start3A_48, %dma_start3A_49] : memref<2048x256xi32, #tpu.memory_space<hbm>> -> memref<2048x256xi32, #tpu.memory_space<hbm>>
      tpu.enqueue_indirect_dma source(%dma_start3A_50 : memref<2048x256xi32, #tpu.memory_space<hbm>>) target(%dma_start3A_44 : memref<128x256xi32, #tpu.memory_space<vmem>>) offsets(%dma_start3A_47 : memref<128xi32, #tpu.memory_space<vmem>>) semaphore(%arg8 : memref<!tpu.dma_semaphore, #tpu.memory_space<semaphore_mem>>)
      %dma_wait3A = arith.constant 0 : i32
      %dma_wait3A_51 = arith.constant 0 : i32
      %dma_wait3A_52 = arith.constant 0 : i32
      %dma_wait3A_53 = arith.constant 0 : i32
      %dma_wait3A_54 = tpu.memref_slice %arg6[%dma_wait3A_51, %dma_wait3A_52, %dma_wait3A_53] : memref<2x128x256xi32, #tpu.memory_space<vmem>> -> memref<1x128x256xi32, #tpu.memory_space<vmem>>
      %dma_wait3A_55 = tpu.memref_squeeze %dma_wait3A_54 : memref<1x128x256xi32, #tpu.memory_space<vmem>> -> memref<128x256xi32, #tpu.memory_space<vmem>>
      %dma_wait3A_56 = arith.constant 0 : i32
      %dma_wait3A_57 = tpu.memref_slice %arg5[%dma_wait3A, %dma_wait3A_56] : memref<2x128xi32, #tpu.memory_space<vmem>> -> memref<1x128xi32, #tpu.memory_space<vmem>>
      %dma_wait3A_58 = tpu.memref_squeeze %dma_wait3A_57 : memref<1x128xi32, #tpu.memory_space<vmem>> -> memref<128xi32, #tpu.memory_space<vmem>>
      %dma_wait3A_59 = arith.constant 0 : i32
      %dma_wait3A_60 = arith.constant 0 : i32
      %dma_wait3A_61 = tpu.memref_slice %arg2[%dma_wait3A_59, %dma_wait3A_60] : memref<2048x256xi32, #tpu.memory_space<hbm>> -> memref<2048x256xi32, #tpu.memory_space<hbm>>
      tpu.wait_indirect_dma semaphore(%arg7 : memref<!tpu.dma_semaphore, #tpu.memory_space<semaphore_mem>>) src(%dma_wait3A_61 : memref<2048x256xi32, #tpu.memory_space<hbm>>) dst(%dma_wait3A_55 : memref<128x256xi32, #tpu.memory_space<vmem>>)
      %run_scoped3A_62 = arith.constant 0 : i32
      "tpu.region"() ({
        %run_scoped3A_77 = tpu.sem_alloc : memref<!tpu.dma_semaphore, #tpu.memory_space<semaphore_mem>>
        %dma_start3A_78 = arith.constant 0 : i32
        %dma_start3A_79 = arith.constant 0 : i32
        %dma_start3A_80 = tpu.memref_slice %arg6[%run_scoped3A_62, %dma_start3A_78, %dma_start3A_79] : memref<2x128x256xi32, #tpu.memory_space<vmem>> -> memref<1x128x256xi32, #tpu.memory_space<vmem>>
        %dma_start3A_81 = tpu.memref_squeeze %dma_start3A_80 : memref<1x128x256xi32, #tpu.memory_space<vmem>> -> memref<128x256xi32, #tpu.memory_space<vmem>>
        %dma_start3A_82 = arith.constant 0 : i32
        %dma_start3A_83 = tpu.memref_slice %arg4[%add3A_17, %dma_start3A_82] : memref<32768x256xi32, #tpu.memory_space<hbm>> -> memref<128x256xi32, #tpu.memory_space<hbm>>
        %dma_start3A_84 = arith.constant 0 : i32
        %dma_start3A_85 = tpu.memref_slice %arg4[%add3A_17, %dma_start3A_84] : memref<32768x256xi32, #tpu.memory_space<hbm>> -> memref<128x256xi32, #tpu.memory_space<hbm>>
        %dma_start3A_86 = arith.constant 0 : i32
        %dma_start3A_87 = arith.constant 0 : i32
        %dma_start3A_88 = tpu.memref_slice %arg6[%run_scoped3A_62, %dma_start3A_86, %dma_start3A_87] : memref<2x128x256xi32, #tpu.memory_space<vmem>> -> memref<1x128x256xi32, #tpu.memory_space<vmem>>
        %dma_start3A_89 = tpu.memref_squeeze %dma_start3A_88 : memref<1x128x256xi32, #tpu.memory_space<vmem>> -> memref<128x256xi32, #tpu.memory_space<vmem>>
        tpu.enqueue_dma source(%dma_start3A_89 : memref<128x256xi32, #tpu.memory_space<vmem>>) target(%dma_start3A_85 : memref<128x256xi32, #tpu.memory_space<hbm>>) target_semaphore(%run_scoped3A_77 : memref<!tpu.dma_semaphore, #tpu.memory_space<semaphore_mem>>)
        %dma_wait3A_90 = arith.constant 0 : i32
        %dma_wait3A_91 = arith.constant 0 : i32
        %dma_wait3A_92 = tpu.memref_slice %arg6[%run_scoped3A_62, %dma_wait3A_90, %dma_wait3A_91] : memref<2x128x256xi32, #tpu.memory_space<vmem>> -> memref<1x128x256xi32, #tpu.memory_space<vmem>>
        %dma_wait3A_93 = tpu.memref_squeeze %dma_wait3A_92 : memref<1x128x256xi32, #tpu.memory_space<vmem>> -> memref<128x256xi32, #tpu.memory_space<vmem>>
        %dma_wait3A_94 = arith.constant 0 : i32
        %dma_wait3A_95 = tpu.memref_slice %arg4[%add3A_17, %dma_wait3A_94] : memref<32768x256xi32, #tpu.memory_space<hbm>> -> memref<128x256xi32, #tpu.memory_space<hbm>>
        %dma_wait3A_96 = arith.constant 0 : i32
        %dma_wait3A_97 = tpu.memref_slice %arg4[%add3A_17, %dma_wait3A_96] : memref<32768x256xi32, #tpu.memory_space<hbm>> -> memref<128x256xi32, #tpu.memory_space<hbm>>
        %dma_wait3A_98 = arith.constant 0 : i32
        %dma_wait3A_99 = arith.constant 0 : i32
        %dma_wait3A_100 = tpu.memref_slice %arg6[%run_scoped3A_62, %dma_wait3A_98, %dma_wait3A_99] : memref<2x128x256xi32, #tpu.memory_space<vmem>> -> memref<1x128x256xi32, #tpu.memory_space<vmem>>
        %dma_wait3A_101 = tpu.memref_squeeze %dma_wait3A_100 : memref<1x128x256xi32, #tpu.memory_space<vmem>> -> memref<128x256xi32, #tpu.memory_space<vmem>>
        tpu.wait_dma2 semaphore(%run_scoped3A_77 : memref<!tpu.dma_semaphore, #tpu.memory_space<semaphore_mem>>) src(%dma_wait3A_101 : memref<128x256xi32, #tpu.memory_space<vmem>>) dst(%dma_wait3A_97 : memref<128x256xi32, #tpu.memory_space<hbm>>)
        tpu.yield
      }) : () -> ()
      %dma_wait3A_63 = arith.constant 1 : i32
      %dma_wait3A_64 = arith.constant 1 : i32
      %dma_wait3A_65 = arith.constant 0 : i32
      %dma_wait3A_66 = arith.constant 0 : i32
      %dma_wait3A_67 = tpu.memref_slice %arg6[%dma_wait3A_64, %dma_wait3A_65, %dma_wait3A_66] : memref<2x128x256xi32, #tpu.memory_space<vmem>> -> memref<1x128x256xi32, #tpu.memory_space<vmem>>
      %dma_wait3A_68 = tpu.memref_squeeze %dma_wait3A_67 : memref<1x128x256xi32, #tpu.memory_space<vmem>> -> memref<128x256xi32, #tpu.memory_space<vmem>>
      %dma_wait3A_69 = arith.constant 0 : i32
      %dma_wait3A_70 = tpu.memref_slice %arg5[%dma_wait3A_63, %dma_wait3A_69] : memref<2x128xi32, #tpu.memory_space<vmem>> -> memref<1x128xi32, #tpu.memory_space<vmem>>
      %dma_wait3A_71 = tpu.memref_squeeze %dma_wait3A_70 : memref<1x128xi32, #tpu.memory_space<vmem>> -> memref<128xi32, #tpu.memory_space<vmem>>
      %dma_wait3A_72 = arith.constant 0 : i32
      %dma_wait3A_73 = arith.constant 0 : i32
      %dma_wait3A_74 = tpu.memref_slice %arg2[%dma_wait3A_72, %dma_wait3A_73] : memref<2048x256xi32, #tpu.memory_space<hbm>> -> memref<2048x256xi32, #tpu.memory_space<hbm>>
      tpu.wait_indirect_dma semaphore(%arg8 : memref<!tpu.dma_semaphore, #tpu.memory_space<semaphore_mem>>) src(%dma_wait3A_74 : memref<2048x256xi32, #tpu.memory_space<hbm>>) dst(%dma_wait3A_68 : memref<128x256xi32, #tpu.memory_space<vmem>>)
      %run_scoped3A_75 = arith.constant 1 : i32
      "tpu.region"() ({
        %run_scoped3A_77 = tpu.sem_alloc : memref<!tpu.dma_semaphore, #tpu.memory_space<semaphore_mem>>
        %dma_start3A_78 = arith.constant 0 : i32
        %dma_start3A_79 = arith.constant 0 : i32
        %dma_start3A_80 = tpu.memref_slice %arg6[%run_scoped3A_75, %dma_start3A_78, %dma_start3A_79] : memref<2x128x256xi32, #tpu.memory_space<vmem>> -> memref<1x128x256xi32, #tpu.memory_space<vmem>>
        %dma_start3A_81 = tpu.memref_squeeze %dma_start3A_80 : memref<1x128x256xi32, #tpu.memory_space<vmem>> -> memref<128x256xi32, #tpu.memory_space<vmem>>
        %dma_start3A_82 = arith.constant 0 : i32
        %dma_start3A_83 = tpu.memref_slice %arg4[%add3A_37, %dma_start3A_82] : memref<32768x256xi32, #tpu.memory_space<hbm>> -> memref<128x256xi32, #tpu.memory_space<hbm>>
        %dma_start3A_84 = arith.constant 0 : i32
        %dma_start3A_85 = tpu.memref_slice %arg4[%add3A_37, %dma_start3A_84] : memref<32768x256xi32, #tpu.memory_space<hbm>> -> memref<128x256xi32, #tpu.memory_space<hbm>>
        %dma_start3A_86 = arith.constant 0 : i32
        %dma_start3A_87 = arith.constant 0 : i32
        %dma_start3A_88 = tpu.memref_slice %arg6[%run_scoped3A_75, %dma_start3A_86, %dma_start3A_87] : memref<2x128x256xi32, #tpu.memory_space<vmem>> -> memref<1x128x256xi32, #tpu.memory_space<vmem>>
        %dma_start3A_89 = tpu.memref_squeeze %dma_start3A_88 : memref<1x128x256xi32, #tpu.memory_space<vmem>> -> memref<128x256xi32, #tpu.memory_space<vmem>>
        tpu.enqueue_dma source(%dma_start3A_89 : memref<128x256xi32, #tpu.memory_space<vmem>>) target(%dma_start3A_85 : memref<128x256xi32, #tpu.memory_space<hbm>>) target_semaphore(%run_scoped3A_77 : memref<!tpu.dma_semaphore, #tpu.memory_space<semaphore_mem>>)
        %dma_wait3A_90 = arith.constant 0 : i32
        %dma_wait3A_91 = arith.constant 0 : i32
        %dma_wait3A_92 = tpu.memref_slice %arg6[%run_scoped3A_75, %dma_wait3A_90, %dma_wait3A_91] : memref<2x128x256xi32, #tpu.memory_space<vmem>> -> memref<1x128x256xi32, #tpu.memory_space<vmem>>
        %dma_wait3A_93 = tpu.memref_squeeze %dma_wait3A_92 : memref<1x128x256xi32, #tpu.memory_space<vmem>> -> memref<128x256xi32, #tpu.memory_space<vmem>>
        %dma_wait3A_94 = arith.constant 0 : i32
        %dma_wait3A_95 = tpu.memref_slice %arg4[%add3A_37, %dma_wait3A_94] : memref<32768x256xi32, #tpu.memory_space<hbm>> -> memref<128x256xi32, #tpu.memory_space<hbm>>
        %dma_wait3A_96 = arith.constant 0 : i32
        %dma_wait3A_97 = tpu.memref_slice %arg4[%add3A_37, %dma_wait3A_96] : memref<32768x256xi32, #tpu.memory_space<hbm>> -> memref<128x256xi32, #tpu.memory_space<hbm>>
        %dma_wait3A_98 = arith.constant 0 : i32
        %dma_wait3A_99 = arith.constant 0 : i32
        %dma_wait3A_100 = tpu.memref_slice %arg6[%run_scoped3A_75, %dma_wait3A_98, %dma_wait3A_99] : memref<2x128x256xi32, #tpu.memory_space<vmem>> -> memref<1x128x256xi32, #tpu.memory_space<vmem>>
        %dma_wait3A_101 = tpu.memref_squeeze %dma_wait3A_100 : memref<1x128x256xi32, #tpu.memory_space<vmem>> -> memref<128x256xi32, #tpu.memory_space<vmem>>
        tpu.wait_dma2 semaphore(%run_scoped3A_77 : memref<!tpu.dma_semaphore, #tpu.memory_space<semaphore_mem>>) src(%dma_wait3A_101 : memref<128x256xi32, #tpu.memory_space<vmem>>) dst(%dma_wait3A_97 : memref<128x256xi32, #tpu.memory_space<hbm>>)
        tpu.yield
      }) : () -> ()
      %scan3A_76 = arith.constant 0 : i32
      scf.yield %scan3A_76 : i32
    }
    %scan3A_6 = arith.constant 4 : i32
    return
  }
}

module attributes {stable_mosaic.version = 14 : i64} {
  func.func @_prep_body(%arg0: i32, %arg1: i32, %arg2: memref<1x256x512xf32, #tpu.memory_space<vmem>>, %arg3: memref<1x512x128xf32, #tpu.memory_space<vmem>>, %arg4: memref<1x128x2048xf32, #tpu.memory_space<vmem>>, %arg5: memref<256x256xf32, #tpu.memory_space<vmem>>, %arg6: memref<1x256xf32, #tpu.memory_space<vmem>>, %arg7: memref<1x256xf32, #tpu.memory_space<vmem>>, %arg8: memref<1x256xf32, #tpu.memory_space<vmem>>, %arg9: memref<256x256xf32, #tpu.memory_space<vmem>>, %arg10: memref<1x512x256xf32, #tpu.memory_space<vmem>>, %arg11: memref<1x512x256xi32, #tpu.memory_space<vmem>>, %arg12: memref<1x512x256xf32, #tpu.memory_space<vmem>>, %arg13: memref<1x512x16xi32, #tpu.memory_space<vmem>>) attributes {dimension_semantics = [#tpu.dimension_semantics<arbitrary>, #tpu.dimension_semantics<arbitrary>], iteration_bounds = array<i64: 1, 4>, scalar_prefetch = 0 : i64, scratch_operands = 0 : i64, tpu.core_type = #tpu.core_type<tc>, window_params = [{transform_indices = @transform_0, window_bounds = array<i64: 1, 256, 512>}, {transform_indices = @transform_1, window_bounds = array<i64: 1, 512, 128>}, {transform_indices = @transform_2, window_bounds = array<i64: 1, 128, 2048>}, {pipeline_mode = #tpu.pipeline_mode<synchronous>, transform_indices = @transform_3, window_bounds = array<i64: 256, 256>}, {pipeline_mode = #tpu.pipeline_mode<synchronous>, transform_indices = @transform_4, window_bounds = array<i64: 1, 256>}, {pipeline_mode = #tpu.pipeline_mode<synchronous>, transform_indices = @transform_5, window_bounds = array<i64: 1, 256>}, {pipeline_mode = #tpu.pipeline_mode<synchronous>, transform_indices = @transform_6, window_bounds = array<i64: 1, 256>}, {pipeline_mode = #tpu.pipeline_mode<synchronous>, transform_indices = @transform_7, window_bounds = array<i64: 256, 256>}, {transform_indices = @transform_8, window_bounds = array<i64: 1, 512, 256>}, {transform_indices = @transform_9, window_bounds = array<i64: 1, 512, 256>}, {transform_indices = @transform_10, window_bounds = array<i64: 1, 512, 256>}, {transform_indices = @transform_11, window_bounds = array<i64: 1, 512, 16>}]} {
    %get3A = arith.constant 0 : index
    %get3A_0 = arith.constant 0 : index
    %get3A_1 = arith.constant 0 : index
    %get3A_2 = vector.load %arg2[%get3A, %get3A_0, %get3A_1] : memref<1x256x512xf32, #tpu.memory_space<vmem>>, vector<1x256x512xf32>
    %get3A_3 = vector.shape_cast %get3A_2 : vector<1x256x512xf32> to vector<256x512xf32>
    %get3A_4 = arith.constant 0 : index
    %get3A_5 = arith.constant 0 : index
    %get3A_6 = vector.load %arg5[%get3A_4, %get3A_5] : memref<256x256xf32, #tpu.memory_space<vmem>>, vector<256x256xf32>
    %dot_general3A = arith.constant dense<0.000000e+00> : vector<512x256xf32>
    %dot_general3A_7 = tpu.matmul %get3A_3, %get3A_6, %dot_general3A {dimension_numbers = #tpu.dot_dimension_numbers<[0], [1], [1], [0], [0, 1, 1, 0], [], []>, transpose_lhs_hint = false} : vector<256x512xf32>, vector<256x256xf32>, vector<512x256xf32> -> vector<512x256xf32>
    %get3A_8 = arith.constant 0 : index
    %get3A_9 = arith.constant 0 : index
    %get3A_10 = vector.load %arg6[%get3A_8, %get3A_9] : memref<1x256xf32, #tpu.memory_space<vmem>>, vector<1x256xf32>
    %add3A = vector.broadcast %get3A_10 : vector<1x256xf32> to vector<512x256xf32>
    %add3A_11 = arith.addf %dot_general3A_7, %add3A : vector<512x256xf32>
    %reduce_sum3A = arith.constant dense<0.000000e+00> : vector<512xf32>
    %reduce_sum3A_12 = vector.multi_reduction <add>, %add3A_11, %reduce_sum3A [1] : vector<512x256xf32> to vector<512xf32>
    %broadcast_in_dim3A = vector.shape_cast %reduce_sum3A_12 : vector<512xf32> to vector<512x1xf32>
    %div3A = arith.constant 2.560000e+02 : f32
    %div3A_13 = vector.broadcast %div3A : f32 to vector<512x1xf32>
    %div3A_14 = arith.divf %broadcast_in_dim3A, %div3A_13 : vector<512x1xf32>
    %sub3A = vector.broadcast %div3A_14 : vector<512x1xf32> to vector<512x256xf32>
    %sub3A_15 = arith.subf %add3A_11, %sub3A : vector<512x256xf32>
    %integer_pow3A = arith.mulf %sub3A_15, %sub3A_15 : vector<512x256xf32>
    %reduce_sum3A_16 = arith.constant dense<0.000000e+00> : vector<512xf32>
    %reduce_sum3A_17 = vector.multi_reduction <add>, %integer_pow3A, %reduce_sum3A_16 [1] : vector<512x256xf32> to vector<512xf32>
    %broadcast_in_dim3A_18 = vector.shape_cast %reduce_sum3A_17 : vector<512xf32> to vector<512x1xf32>
    %div3A_19 = arith.constant 2.560000e+02 : f32
    %div3A_20 = vector.broadcast %div3A_19 : f32 to vector<512x1xf32>
    %div3A_21 = arith.divf %broadcast_in_dim3A_18, %div3A_20 : vector<512x1xf32>
    %sub3A_22 = vector.broadcast %div3A_14 : vector<512x1xf32> to vector<512x256xf32>
    %sub3A_23 = arith.subf %add3A_11, %sub3A_22 : vector<512x256xf32>
    %add3A_24 = arith.constant 9.99999974E-6 : f32
    %add3A_25 = vector.broadcast %add3A_24 : f32 to vector<512x1xf32>
    %add3A_26 = arith.addf %div3A_21, %add3A_25 : vector<512x1xf32>
    %rsqrt3A = math.rsqrt %add3A_26 : vector<512x1xf32>
    %mul3A = vector.broadcast %rsqrt3A : vector<512x1xf32> to vector<512x256xf32>
    %mul3A_27 = arith.mulf %sub3A_23, %mul3A : vector<512x256xf32>
    %get3A_28 = arith.constant 0 : index
    %get3A_29 = arith.constant 0 : index
    %get3A_30 = vector.load %arg7[%get3A_28, %get3A_29] : memref<1x256xf32, #tpu.memory_space<vmem>>, vector<1x256xf32>
    %mul3A_31 = vector.broadcast %get3A_30 : vector<1x256xf32> to vector<512x256xf32>
    %mul3A_32 = arith.mulf %mul3A_27, %mul3A_31 : vector<512x256xf32>
    %get3A_33 = arith.constant 0 : index
    %get3A_34 = arith.constant 0 : index
    %get3A_35 = vector.load %arg8[%get3A_33, %get3A_34] : memref<1x256xf32, #tpu.memory_space<vmem>>, vector<1x256xf32>
    %add3A_36 = vector.broadcast %get3A_35 : vector<1x256xf32> to vector<512x256xf32>
    %add3A_37 = arith.addf %mul3A_32, %add3A_36 : vector<512x256xf32>
    %swap3A = arith.constant 0 : index
    %swap3A_38 = arith.constant 0 : index
    %swap3A_39 = arith.constant 0 : index
    %swap3A_40 = vector.load %arg10[%swap3A, %swap3A_38, %swap3A_39] : memref<1x512x256xf32, #tpu.memory_space<vmem>>, vector<1x512x256xf32>
    %swap3A_41 = vector.shape_cast %swap3A_40 : vector<1x512x256xf32> to vector<512x256xf32>
    %swap3A_42 = vector.shape_cast %add3A_11 : vector<512x256xf32> to vector<1x512x256xf32>
    tpu.vector_store %arg10[%swap3A, %swap3A_38, %swap3A_39], %swap3A_42 {strides = array<i32>} : memref<1x512x256xf32, #tpu.memory_space<vmem>>, vector<1x512x256xf32>,
    %get3A_43 = arith.constant 0 : index
    %get3A_44 = arith.constant 0 : index
    %get3A_45 = arith.constant 0 : index
    %get3A_46 = vector.load %arg3[%get3A_43, %get3A_44, %get3A_45] : memref<1x512x128xf32, #tpu.memory_space<vmem>>, vector<1x512x128xf32>
    %get3A_47 = vector.shape_cast %get3A_46 : vector<1x512x128xf32> to vector<512x128xf32>
    %convert_element_type3A = arith.truncf %add3A_37 : vector<512x256xf32> to vector<512x256xbf16>
    %convert_element_type3A_48 = arith.extf %convert_element_type3A : vector<512x256xbf16> to vector<512x256xf32>
    %bitcast_convert_type3A = tpu.bitcast %convert_element_type3A_48 : vector<512x256xf32> -> vector<512x256xi32>
    %shift_right_arithmetic3A = arith.constant 16 : i32
    %shift_right_arithmetic3A_49 = vector.broadcast %shift_right_arithmetic3A : i32 to vector<512x256xi32>
    %shift_right_arithmetic3A_50 = arith.shrsi %bitcast_convert_type3A, %shift_right_arithmetic3A_49 : vector<512x256xi32>
    %and3A = arith.constant 65535 : i32
    %and3A_51 = vector.broadcast %and3A : i32 to vector<512x256xi32>
    %and3A_52 = arith.andi %shift_right_arithmetic3A_50, %and3A_51 : vector<512x256xi32>
    %convert_element_type3A_53 = arith.truncf %get3A_47 : vector<512x128xf32> to vector<512x128xbf16>
    %convert_element_type3A_54 = arith.extf %convert_element_type3A_53 : vector<512x128xbf16> to vector<512x128xf32>
    %slice3A = vector.extract_strided_slice %and3A_52 {offsets = [0, 0], sizes = [512, 128], strides = [1, 1]} : vector<512x256xi32> to vector<512x128xi32>
    %slice3A_55 = vector.extract_strided_slice %and3A_52 {offsets = [0, 128], sizes = [512, 128], strides = [1, 1]} : vector<512x256xi32> to vector<512x128xi32>
    %shift_left3A = arith.constant 16 : i32
    %shift_left3A_56 = vector.broadcast %shift_left3A : i32 to vector<512x128xi32>
    %shift_left3A_57 = arith.shli %slice3A_55, %shift_left3A_56 : vector<512x128xi32>
    %or3A = arith.ori %slice3A, %shift_left3A_57 : vector<512x128xi32>
    %swap3A_58 = arith.constant 0 : index
    %swap3A_59 = arith.constant 0 : index
    %swap3A_60 = arith.constant 0 : index
    %swap3A_61 = vector.load %arg11[%swap3A_58, %swap3A_59, %swap3A_60] : memref<1x512x256xi32, #tpu.memory_space<vmem>>, vector<1x512x128xi32>
    %swap3A_62 = vector.shape_cast %swap3A_61 : vector<1x512x128xi32> to vector<512x128xi32>
    %swap3A_63 = vector.shape_cast %or3A : vector<512x128xi32> to vector<1x512x128xi32>
    tpu.vector_store %arg11[%swap3A_58, %swap3A_59, %swap3A_60], %swap3A_63 {strides = array<i32>} : memref<1x512x256xi32, #tpu.memory_space<vmem>>, vector<1x512x128xi32>,
    %convert_element_type3A_64 = arith.truncf %convert_element_type3A_54 : vector<512x128xf32> to vector<512x128xbf16>
    %convert_element_type3A_65 = arith.extf %convert_element_type3A_64 : vector<512x128xbf16> to vector<512x128xf32>
    %bitcast_convert_type3A_66 = tpu.bitcast %convert_element_type3A_65 : vector<512x128xf32> -> vector<512x128xi32>
    %shift_right_arithmetic3A_67 = arith.constant 16 : i32
    %shift_right_arithmetic3A_68 = vector.broadcast %shift_right_arithmetic3A_67 : i32 to vector<512x128xi32>
    %shift_right_arithmetic3A_69 = arith.shrsi %bitcast_convert_type3A_66, %shift_right_arithmetic3A_68 : vector<512x128xi32>
    %and3A_70 = arith.constant 65535 : i32
    %and3A_71 = vector.broadcast %and3A_70 : i32 to vector<512x128xi32>
    %and3A_72 = arith.andi %shift_right_arithmetic3A_69, %and3A_71 : vector<512x128xi32>
    %sub3A_73 = arith.subf %get3A_47, %convert_element_type3A_54 : vector<512x128xf32>
    %convert_element_type3A_74 = arith.truncf %sub3A_73 : vector<512x128xf32> to vector<512x128xbf16>
    %convert_element_type3A_75 = arith.extf %convert_element_type3A_74 : vector<512x128xbf16> to vector<512x128xf32>
    %bitcast_convert_type3A_76 = tpu.bitcast %convert_element_type3A_75 : vector<512x128xf32> -> vector<512x128xi32>
    %shift_right_arithmetic3A_77 = arith.constant 16 : i32
    %shift_right_arithmetic3A_78 = vector.broadcast %shift_right_arithmetic3A_77 : i32 to vector<512x128xi32>
    %shift_right_arithmetic3A_79 = arith.shrsi %bitcast_convert_type3A_76, %shift_right_arithmetic3A_78 : vector<512x128xi32>
    %and3A_80 = arith.constant 65535 : i32
    %and3A_81 = vector.broadcast %and3A_80 : i32 to vector<512x128xi32>
    %and3A_82 = arith.andi %shift_right_arithmetic3A_79, %and3A_81 : vector<512x128xi32>
    %shift_left3A_83 = arith.constant 16 : i32
    %shift_left3A_84 = vector.broadcast %shift_left3A_83 : i32 to vector<512x128xi32>
    %shift_left3A_85 = arith.shli %and3A_82, %shift_left3A_84 : vector<512x128xi32>
    %or3A_86 = arith.ori %and3A_72, %shift_left3A_85 : vector<512x128xi32>
    %swap3A_87 = arith.constant 0 : index
    %swap3A_88 = arith.constant 0 : index
    %swap3A_89 = arith.constant 128 : index
    %swap3A_90 = vector.load %arg11[%swap3A_87, %swap3A_88, %swap3A_89] : memref<1x512x256xi32, #tpu.memory_space<vmem>>, vector<1x512x128xi32>
    %swap3A_91 = vector.shape_cast %swap3A_90 : vector<1x512x128xi32> to vector<512x128xi32>
    %swap3A_92 = vector.shape_cast %or3A_86 : vector<512x128xi32> to vector<1x512x128xi32>
    tpu.vector_store %arg11[%swap3A_87, %swap3A_88, %swap3A_89], %swap3A_92 {strides = array<i32>} : memref<1x512x256xi32, #tpu.memory_space<vmem>>, vector<1x512x128xi32>,
    %get3A_93 = arith.constant 0 : index
    %get3A_94 = arith.constant 0 : index
    %get3A_95 = vector.load %arg9[%get3A_93, %get3A_94] : memref<256x256xf32, #tpu.memory_space<vmem>>, vector<256x256xf32>
    %dot_general3A_96 = arith.constant dense<0.000000e+00> : vector<512x256xf32>
    %dot_general3A_97 = tpu.matmul %add3A_37, %get3A_95, %dot_general3A_96 {dimension_numbers = #tpu.dot_dimension_numbers<[1], [0], [0], [1], [0, 0, 1, 1], [], []>, transpose_lhs_hint = false} : vector<512x256xf32>, vector<256x256xf32>, vector<512x256xf32> -> vector<512x256xf32>
    %swap3A_98 = arith.constant 0 : index
    %swap3A_99 = arith.constant 0 : index
    %swap3A_100 = arith.constant 0 : index
    %swap3A_101 = vector.load %arg12[%swap3A_98, %swap3A_99, %swap3A_100] : memref<1x512x256xf32, #tpu.memory_space<vmem>>, vector<1x512x256xf32>
    %swap3A_102 = vector.shape_cast %swap3A_101 : vector<1x512x256xf32> to vector<512x256xf32>
    %swap3A_103 = vector.shape_cast %dot_general3A_97 : vector<512x256xf32> to vector<1x512x256xf32>
    tpu.vector_store %arg12[%swap3A_98, %swap3A_99, %swap3A_100], %swap3A_103 {strides = array<i32>} : memref<1x512x256xf32, #tpu.memory_space<vmem>>, vector<1x512x256xf32>,
    %get3A_104 = arith.constant 0 : index
    %get3A_105 = arith.constant 0 : index
    %get3A_106 = arith.constant 0 : index
    %get3A_107 = vector.load %arg4[%get3A_104, %get3A_105, %get3A_106] : memref<1x128x2048xf32, #tpu.memory_space<vmem>>, vector<1x128x2048xf32>
    %get3A_108 = vector.shape_cast %get3A_107 : vector<1x128x2048xf32> to vector<128x2048xf32>
    %dot_general3A_109 = arith.constant dense<0.000000e+00> : vector<512x2048xf32>
    %dot_general3A_110 = tpu.matmul %get3A_47, %get3A_108, %dot_general3A_109 {dimension_numbers = #tpu.dot_dimension_numbers<[1], [0], [0], [1], [0, 0, 1, 1], [], []>, transpose_lhs_hint = false} : vector<512x128xf32>, vector<128x2048xf32>, vector<512x2048xf32> -> vector<512x2048xf32>
    %mul3A_111 = arith.constant 2.000000e+00 : f32
    %mul3A_112 = vector.broadcast %mul3A_111 : f32 to vector<512x2048xf32>
    %mul3A_113 = arith.mulf %mul3A_112, %dot_general3A_110 : vector<512x2048xf32>
    %mul3A_114 = arith.mulf %get3A_47, %get3A_47 : vector<512x128xf32>
    %reduce_sum3A_115 = arith.constant dense<0.000000e+00> : vector<512xf32>
    %reduce_sum3A_116 = vector.multi_reduction <add>, %mul3A_114, %reduce_sum3A_115 [1] : vector<512x128xf32> to vector<512xf32>
    %broadcast_in_dim3A_117 = vector.shape_cast %reduce_sum3A_116 : vector<512xf32> to vector<512x1xf32>
    %sub3A_118 = vector.broadcast %broadcast_in_dim3A_117 : vector<512x1xf32> to vector<512x2048xf32>
    %sub3A_119 = arith.subf %mul3A_113, %sub3A_118 : vector<512x2048xf32>
    %mul3A_120 = arith.mulf %get3A_108, %get3A_108 : vector<128x2048xf32>
    %reduce_sum3A_121 = arith.constant dense<0.000000e+00> : vector<2048xf32>
    %reduce_sum3A_122 = vector.multi_reduction <add>, %mul3A_120, %reduce_sum3A_121 [0] : vector<128x2048xf32> to vector<2048xf32>
    %broadcast_in_dim3A_123 = vector.shape_cast %reduce_sum3A_122 : vector<2048xf32> to vector<1x2048xf32>
    %sub3A_124 = vector.broadcast %broadcast_in_dim3A_123 : vector<1x2048xf32> to vector<512x2048xf32>
    %sub3A_125 = arith.subf %sub3A_119, %sub3A_124 : vector<512x2048xf32>
    %iota3A = tpu.iota {dimensions = array<i32: 1>} : vector<512x2048xi32>
    %iota3A_126 = tpu.iota {dimensions = array<i32: 0>} : vector<512x2048xi32>
    %mul3A_127 = arith.constant 512 : i32
    %mul3A_128 = arith.muli %arg1, %mul3A_127 : i32
    %add3A_129 = vector.broadcast %mul3A_128 : i32 to vector<512x2048xi32>
    %add3A_130 = arith.addi %iota3A_126, %add3A_129 : vector<512x2048xi32>
    %eq3A = arith.cmpi eq, %iota3A, %add3A_130 : vector<512x2048xi32>
    %jit3A = arith.constant -1.000000e+09 : f32
    %broadcast_in_dim3A_131 = vector.broadcast %jit3A : f32 to vector<512x2048xf32>
    %select_n3A = arith.select %eq3A, %broadcast_in_dim3A_131, %sub3A_125 : vector<512x2048xi1>, vector<512x2048xf32>
    %bitcast_convert_type3A_132 = tpu.bitcast %select_n3A : vector<512x2048xf32> -> vector<512x2048xi32>
    %shift_right_arithmetic3A_133 = arith.constant 31 : i32
    %shift_right_arithmetic3A_134 = vector.broadcast %shift_right_arithmetic3A_133 : i32 to vector<512x2048xi32>
    %shift_right_arithmetic3A_135 = arith.shrsi %bitcast_convert_type3A_132, %shift_right_arithmetic3A_134 : vector<512x2048xi32>
    %and3A_136 = arith.constant 2147483647 : i32
    %and3A_137 = vector.broadcast %and3A_136 : i32 to vector<512x2048xi32>
    %and3A_138 = arith.andi %shift_right_arithmetic3A_135, %and3A_137 : vector<512x2048xi32>
    %xor3A = arith.xori %bitcast_convert_type3A_132, %and3A_138 : vector<512x2048xi32>
    %and3A_139 = arith.constant -2048 : i32
    %and3A_140 = vector.broadcast %and3A_139 : i32 to vector<512x2048xi32>
    %and3A_141 = arith.andi %xor3A, %and3A_140 : vector<512x2048xi32>
    %sub3A_142 = arith.constant 2047 : i32
    %sub3A_143 = vector.broadcast %sub3A_142 : i32 to vector<512x2048xi32>
    %sub3A_144 = arith.subi %sub3A_143, %iota3A : vector<512x2048xi32>
    %or3A_145 = arith.ori %and3A_141, %sub3A_144 : vector<512x2048xi32>
    %broadcast_in_dim3A_146 = arith.constant 0 : i32
    %broadcast_in_dim3A_147 = vector.broadcast %broadcast_in_dim3A_146 : i32 to vector<512x16xi32>
    %iota3A_148 = tpu.iota {dimensions = array<i32: 1>} : vector<512x16xi32>
    %reduce_max3A = arith.constant dense<-2147483648> : vector<512xi32>
    %reduce_max3A_149 = vector.multi_reduction <maxsi>, %or3A_145, %reduce_max3A [1] : vector<512x2048xi32> to vector<512xi32>
    %broadcast_in_dim3A_150 = vector.shape_cast %reduce_max3A_149 : vector<512xi32> to vector<512x1xi32>
    %eq3A_151 = vector.broadcast %broadcast_in_dim3A_150 : vector<512x1xi32> to vector<512x2048xi32>
    %eq3A_152 = arith.cmpi eq, %or3A_145, %eq3A_151 : vector<512x2048xi32>
    %jit3A_153 = arith.constant -2147483648 : i32
    %broadcast_in_dim3A_154 = vector.broadcast %jit3A_153 : i32 to vector<512x2048xi32>
    %select_n3A_155 = arith.select %eq3A_152, %broadcast_in_dim3A_154, %or3A_145 : vector<512x2048xi1>, vector<512x2048xi32>
    %eq3A_156 = arith.constant 0 : i32
    %eq3A_157 = vector.broadcast %eq3A_156 : i32 to vector<512x16xi32>
    %eq3A_158 = arith.cmpi eq, %iota3A_148, %eq3A_157 : vector<512x16xi32>
    %and3A_159 = arith.constant 2047 : i32
    %and3A_160 = vector.broadcast %and3A_159 : i32 to vector<512x1xi32>
    %and3A_161 = arith.andi %broadcast_in_dim3A_150, %and3A_160 : vector<512x1xi32>
    %sub3A_162 = arith.constant 2047 : i32
    %sub3A_163 = vector.broadcast %sub3A_162 : i32 to vector<512x1xi32>
    %sub3A_164 = arith.subi %sub3A_163, %and3A_161 : vector<512x1xi32>
    %broadcast_in_dim3A_165 = vector.shape_cast %sub3A_164 : vector<512x1xi32> to vector<512x1xi32>
    %broadcast_in_dim3A_166 = vector.broadcast %broadcast_in_dim3A_165 : vector<512x1xi32> to vector<512x16xi32>
    %select_n3A_167 = arith.select %eq3A_158, %broadcast_in_dim3A_166, %broadcast_in_dim3A_147 : vector<512x16xi1>, vector<512x16xi32>
    %reduce_max3A_168 = arith.constant dense<-2147483648> : vector<512xi32>
    %reduce_max3A_169 = vector.multi_reduction <maxsi>, %select_n3A_155, %reduce_max3A_168 [1] : vector<512x2048xi32> to vector<512xi32>
    %broadcast_in_dim3A_170 = vector.shape_cast %reduce_max3A_169 : vector<512xi32> to vector<512x1xi32>
    %eq3A_171 = vector.broadcast %broadcast_in_dim3A_170 : vector<512x1xi32> to vector<512x2048xi32>
    %eq3A_172 = arith.cmpi eq, %select_n3A_155, %eq3A_171 : vector<512x2048xi32>
    %jit3A_173 = arith.constant -2147483648 : i32
    %broadcast_in_dim3A_174 = vector.broadcast %jit3A_173 : i32 to vector<512x2048xi32>
    %select_n3A_175 = arith.select %eq3A_172, %broadcast_in_dim3A_174, %select_n3A_155 : vector<512x2048xi1>, vector<512x2048xi32>
    %eq3A_176 = arith.constant 1 : i32
    %eq3A_177 = vector.broadcast %eq3A_176 : i32 to vector<512x16xi32>
    %eq3A_178 = arith.cmpi eq, %iota3A_148, %eq3A_177 : vector<512x16xi32>
    %and3A_179 = arith.constant 2047 : i32
    %and3A_180 = vector.broadcast %and3A_179 : i32 to vector<512x1xi32>
    %and3A_181 = arith.andi %broadcast_in_dim3A_170, %and3A_180 : vector<512x1xi32>
    %sub3A_182 = arith.constant 2047 : i32
    %sub3A_183 = vector.broadcast %sub3A_182 : i32 to vector<512x1xi32>
    %sub3A_184 = arith.subi %sub3A_183, %and3A_181 : vector<512x1xi32>
    %broadcast_in_dim3A_185 = vector.shape_cast %sub3A_184 : vector<512x1xi32> to vector<512x1xi32>
    %broadcast_in_dim3A_186 = vector.broadcast %broadcast_in_dim3A_185 : vector<512x1xi32> to vector<512x16xi32>
    %select_n3A_187 = arith.select %eq3A_178, %broadcast_in_dim3A_186, %select_n3A_167 : vector<512x16xi1>, vector<512x16xi32>
    %reduce_max3A_188 = arith.constant dense<-2147483648> : vector<512xi32>
    %reduce_max3A_189 = vector.multi_reduction <maxsi>, %select_n3A_175, %reduce_max3A_188 [1] : vector<512x2048xi32> to vector<512xi32>
    %broadcast_in_dim3A_190 = vector.shape_cast %reduce_max3A_189 : vector<512xi32> to vector<512x1xi32>
    %eq3A_191 = vector.broadcast %broadcast_in_dim3A_190 : vector<512x1xi32> to vector<512x2048xi32>
    %eq3A_192 = arith.cmpi eq, %select_n3A_175, %eq3A_191 : vector<512x2048xi32>
    %jit3A_193 = arith.constant -2147483648 : i32
    %broadcast_in_dim3A_194 = vector.broadcast %jit3A_193 : i32 to vector<512x2048xi32>
    %select_n3A_195 = arith.select %eq3A_192, %broadcast_in_dim3A_194, %select_n3A_175 : vector<512x2048xi1>, vector<512x2048xi32>
    %eq3A_196 = arith.constant 2 : i32
    %eq3A_197 = vector.broadcast %eq3A_196 : i32 to vector<512x16xi32>
    %eq3A_198 = arith.cmpi eq, %iota3A_148, %eq3A_197 : vector<512x16xi32>
    %and3A_199 = arith.constant 2047 : i32
    %and3A_200 = vector.broadcast %and3A_199 : i32 to vector<512x1xi32>
    %and3A_201 = arith.andi %broadcast_in_dim3A_190, %and3A_200 : vector<512x1xi32>
    %sub3A_202 = arith.constant 2047 : i32
    %sub3A_203 = vector.broadcast %sub3A_202 : i32 to vector<512x1xi32>
    %sub3A_204 = arith.subi %sub3A_203, %and3A_201 : vector<512x1xi32>
    %broadcast_in_dim3A_205 = vector.shape_cast %sub3A_204 : vector<512x1xi32> to vector<512x1xi32>
    %broadcast_in_dim3A_206 = vector.broadcast %broadcast_in_dim3A_205 : vector<512x1xi32> to vector<512x16xi32>
    %select_n3A_207 = arith.select %eq3A_198, %broadcast_in_dim3A_206, %select_n3A_187 : vector<512x16xi1>, vector<512x16xi32>
    %reduce_max3A_208 = arith.constant dense<-2147483648> : vector<512xi32>
    %reduce_max3A_209 = vector.multi_reduction <maxsi>, %select_n3A_195, %reduce_max3A_208 [1] : vector<512x2048xi32> to vector<512xi32>
    %broadcast_in_dim3A_210 = vector.shape_cast %reduce_max3A_209 : vector<512xi32> to vector<512x1xi32>
    %eq3A_211 = vector.broadcast %broadcast_in_dim3A_210 : vector<512x1xi32> to vector<512x2048xi32>
    %eq3A_212 = arith.cmpi eq, %select_n3A_195, %eq3A_211 : vector<512x2048xi32>
    %jit3A_213 = arith.constant -2147483648 : i32
    %broadcast_in_dim3A_214 = vector.broadcast %jit3A_213 : i32 to vector<512x2048xi32>
    %select_n3A_215 = arith.select %eq3A_212, %broadcast_in_dim3A_214, %select_n3A_195 : vector<512x2048xi1>, vector<512x2048xi32>
    %eq3A_216 = arith.constant 3 : i32
    %eq3A_217 = vector.broadcast %eq3A_216 : i32 to vector<512x16xi32>
    %eq3A_218 = arith.cmpi eq, %iota3A_148, %eq3A_217 : vector<512x16xi32>
    %and3A_219 = arith.constant 2047 : i32
    %and3A_220 = vector.broadcast %and3A_219 : i32 to vector<512x1xi32>
    %and3A_221 = arith.andi %broadcast_in_dim3A_210, %and3A_220 : vector<512x1xi32>
    %sub3A_222 = arith.constant 2047 : i32
    %sub3A_223 = vector.broadcast %sub3A_222 : i32 to vector<512x1xi32>
    %sub3A_224 = arith.subi %sub3A_223, %and3A_221 : vector<512x1xi32>
    %broadcast_in_dim3A_225 = vector.shape_cast %sub3A_224 : vector<512x1xi32> to vector<512x1xi32>
    %broadcast_in_dim3A_226 = vector.broadcast %broadcast_in_dim3A_225 : vector<512x1xi32> to vector<512x16xi32>
    %select_n3A_227 = arith.select %eq3A_218, %broadcast_in_dim3A_226, %select_n3A_207 : vector<512x16xi1>, vector<512x16xi32>
    %reduce_max3A_228 = arith.constant dense<-2147483648> : vector<512xi32>
    %reduce_max3A_229 = vector.multi_reduction <maxsi>, %select_n3A_215, %reduce_max3A_228 [1] : vector<512x2048xi32> to vector<512xi32>
    %broadcast_in_dim3A_230 = vector.shape_cast %reduce_max3A_229 : vector<512xi32> to vector<512x1xi32>
    %eq3A_231 = vector.broadcast %broadcast_in_dim3A_230 : vector<512x1xi32> to vector<512x2048xi32>
    %eq3A_232 = arith.cmpi eq, %select_n3A_215, %eq3A_231 : vector<512x2048xi32>
    %jit3A_233 = arith.constant -2147483648 : i32
    %broadcast_in_dim3A_234 = vector.broadcast %jit3A_233 : i32 to vector<512x2048xi32>
    %select_n3A_235 = arith.select %eq3A_232, %broadcast_in_dim3A_234, %select_n3A_215 : vector<512x2048xi1>, vector<512x2048xi32>
    %eq3A_236 = arith.constant 4 : i32
    %eq3A_237 = vector.broadcast %eq3A_236 : i32 to vector<512x16xi32>
    %eq3A_238 = arith.cmpi eq, %iota3A_148, %eq3A_237 : vector<512x16xi32>
    %and3A_239 = arith.constant 2047 : i32
    %and3A_240 = vector.broadcast %and3A_239 : i32 to vector<512x1xi32>
    %and3A_241 = arith.andi %broadcast_in_dim3A_230, %and3A_240 : vector<512x1xi32>
    %sub3A_242 = arith.constant 2047 : i32
    %sub3A_243 = vector.broadcast %sub3A_242 : i32 to vector<512x1xi32>
    %sub3A_244 = arith.subi %sub3A_243, %and3A_241 : vector<512x1xi32>
    %broadcast_in_dim3A_245 = vector.shape_cast %sub3A_244 : vector<512x1xi32> to vector<512x1xi32>
    %broadcast_in_dim3A_246 = vector.broadcast %broadcast_in_dim3A_245 : vector<512x1xi32> to vector<512x16xi32>
    %select_n3A_247 = arith.select %eq3A_238, %broadcast_in_dim3A_246, %select_n3A_227 : vector<512x16xi1>, vector<512x16xi32>
    %reduce_max3A_248 = arith.constant dense<-2147483648> : vector<512xi32>
    %reduce_max3A_249 = vector.multi_reduction <maxsi>, %select_n3A_235, %reduce_max3A_248 [1] : vector<512x2048xi32> to vector<512xi32>
    %broadcast_in_dim3A_250 = vector.shape_cast %reduce_max3A_249 : vector<512xi32> to vector<512x1xi32>
    %eq3A_251 = vector.broadcast %broadcast_in_dim3A_250 : vector<512x1xi32> to vector<512x2048xi32>
    %eq3A_252 = arith.cmpi eq, %select_n3A_235, %eq3A_251 : vector<512x2048xi32>
    %jit3A_253 = arith.constant -2147483648 : i32
    %broadcast_in_dim3A_254 = vector.broadcast %jit3A_253 : i32 to vector<512x2048xi32>
    %select_n3A_255 = arith.select %eq3A_252, %broadcast_in_dim3A_254, %select_n3A_235 : vector<512x2048xi1>, vector<512x2048xi32>
    %eq3A_256 = arith.constant 5 : i32
    %eq3A_257 = vector.broadcast %eq3A_256 : i32 to vector<512x16xi32>
    %eq3A_258 = arith.cmpi eq, %iota3A_148, %eq3A_257 : vector<512x16xi32>
    %and3A_259 = arith.constant 2047 : i32
    %and3A_260 = vector.broadcast %and3A_259 : i32 to vector<512x1xi32>
    %and3A_261 = arith.andi %broadcast_in_dim3A_250, %and3A_260 : vector<512x1xi32>
    %sub3A_262 = arith.constant 2047 : i32
    %sub3A_263 = vector.broadcast %sub3A_262 : i32 to vector<512x1xi32>
    %sub3A_264 = arith.subi %sub3A_263, %and3A_261 : vector<512x1xi32>
    %broadcast_in_dim3A_265 = vector.shape_cast %sub3A_264 : vector<512x1xi32> to vector<512x1xi32>
    %broadcast_in_dim3A_266 = vector.broadcast %broadcast_in_dim3A_265 : vector<512x1xi32> to vector<512x16xi32>
    %select_n3A_267 = arith.select %eq3A_258, %broadcast_in_dim3A_266, %select_n3A_247 : vector<512x16xi1>, vector<512x16xi32>
    %reduce_max3A_268 = arith.constant dense<-2147483648> : vector<512xi32>
    %reduce_max3A_269 = vector.multi_reduction <maxsi>, %select_n3A_255, %reduce_max3A_268 [1] : vector<512x2048xi32> to vector<512xi32>
    %broadcast_in_dim3A_270 = vector.shape_cast %reduce_max3A_269 : vector<512xi32> to vector<512x1xi32>
    %eq3A_271 = vector.broadcast %broadcast_in_dim3A_270 : vector<512x1xi32> to vector<512x2048xi32>
    %eq3A_272 = arith.cmpi eq, %select_n3A_255, %eq3A_271 : vector<512x2048xi32>
    %jit3A_273 = arith.constant -2147483648 : i32
    %broadcast_in_dim3A_274 = vector.broadcast %jit3A_273 : i32 to vector<512x2048xi32>
    %select_n3A_275 = arith.select %eq3A_272, %broadcast_in_dim3A_274, %select_n3A_255 : vector<512x2048xi1>, vector<512x2048xi32>
    %eq3A_276 = arith.constant 6 : i32
    %eq3A_277 = vector.broadcast %eq3A_276 : i32 to vector<512x16xi32>
    %eq3A_278 = arith.cmpi eq, %iota3A_148, %eq3A_277 : vector<512x16xi32>
    %and3A_279 = arith.constant 2047 : i32
    %and3A_280 = vector.broadcast %and3A_279 : i32 to vector<512x1xi32>
    %and3A_281 = arith.andi %broadcast_in_dim3A_270, %and3A_280 : vector<512x1xi32>
    %sub3A_282 = arith.constant 2047 : i32
    %sub3A_283 = vector.broadcast %sub3A_282 : i32 to vector<512x1xi32>
    %sub3A_284 = arith.subi %sub3A_283, %and3A_281 : vector<512x1xi32>
    %broadcast_in_dim3A_285 = vector.shape_cast %sub3A_284 : vector<512x1xi32> to vector<512x1xi32>
    %broadcast_in_dim3A_286 = vector.broadcast %broadcast_in_dim3A_285 : vector<512x1xi32> to vector<512x16xi32>
    %select_n3A_287 = arith.select %eq3A_278, %broadcast_in_dim3A_286, %select_n3A_267 : vector<512x16xi1>, vector<512x16xi32>
    %reduce_max3A_288 = arith.constant dense<-2147483648> : vector<512xi32>
    %reduce_max3A_289 = vector.multi_reduction <maxsi>, %select_n3A_275, %reduce_max3A_288 [1] : vector<512x2048xi32> to vector<512xi32>
    %broadcast_in_dim3A_290 = vector.shape_cast %reduce_max3A_289 : vector<512xi32> to vector<512x1xi32>
    %eq3A_291 = vector.broadcast %broadcast_in_dim3A_290 : vector<512x1xi32> to vector<512x2048xi32>
    %eq3A_292 = arith.cmpi eq, %select_n3A_275, %eq3A_291 : vector<512x2048xi32>
    %jit3A_293 = arith.constant -2147483648 : i32
    %broadcast_in_dim3A_294 = vector.broadcast %jit3A_293 : i32 to vector<512x2048xi32>
    %select_n3A_295 = arith.select %eq3A_292, %broadcast_in_dim3A_294, %select_n3A_275 : vector<512x2048xi1>, vector<512x2048xi32>
    %eq3A_296 = arith.constant 7 : i32
    %eq3A_297 = vector.broadcast %eq3A_296 : i32 to vector<512x16xi32>
    %eq3A_298 = arith.cmpi eq, %iota3A_148, %eq3A_297 : vector<512x16xi32>
    %and3A_299 = arith.constant 2047 : i32
    %and3A_300 = vector.broadcast %and3A_299 : i32 to vector<512x1xi32>
    %and3A_301 = arith.andi %broadcast_in_dim3A_290, %and3A_300 : vector<512x1xi32>
    %sub3A_302 = arith.constant 2047 : i32
    %sub3A_303 = vector.broadcast %sub3A_302 : i32 to vector<512x1xi32>
    %sub3A_304 = arith.subi %sub3A_303, %and3A_301 : vector<512x1xi32>
    %broadcast_in_dim3A_305 = vector.shape_cast %sub3A_304 : vector<512x1xi32> to vector<512x1xi32>
    %broadcast_in_dim3A_306 = vector.broadcast %broadcast_in_dim3A_305 : vector<512x1xi32> to vector<512x16xi32>
    %select_n3A_307 = arith.select %eq3A_298, %broadcast_in_dim3A_306, %select_n3A_287 : vector<512x16xi1>, vector<512x16xi32>
    %reduce_max3A_308 = arith.constant dense<-2147483648> : vector<512xi32>
    %reduce_max3A_309 = vector.multi_reduction <maxsi>, %select_n3A_295, %reduce_max3A_308 [1] : vector<512x2048xi32> to vector<512xi32>
    %broadcast_in_dim3A_310 = vector.shape_cast %reduce_max3A_309 : vector<512xi32> to vector<512x1xi32>
    %eq3A_311 = vector.broadcast %broadcast_in_dim3A_310 : vector<512x1xi32> to vector<512x2048xi32>
    %eq3A_312 = arith.cmpi eq, %select_n3A_295, %eq3A_311 : vector<512x2048xi32>
    %jit3A_313 = arith.constant -2147483648 : i32
    %broadcast_in_dim3A_314 = vector.broadcast %jit3A_313 : i32 to vector<512x2048xi32>
    %select_n3A_315 = arith.select %eq3A_312, %broadcast_in_dim3A_314, %select_n3A_295 : vector<512x2048xi1>, vector<512x2048xi32>
    %eq3A_316 = arith.constant 8 : i32
    %eq3A_317 = vector.broadcast %eq3A_316 : i32 to vector<512x16xi32>
    %eq3A_318 = arith.cmpi eq, %iota3A_148, %eq3A_317 : vector<512x16xi32>
    %and3A_319 = arith.constant 2047 : i32
    %and3A_320 = vector.broadcast %and3A_319 : i32 to vector<512x1xi32>
    %and3A_321 = arith.andi %broadcast_in_dim3A_310, %and3A_320 : vector<512x1xi32>
    %sub3A_322 = arith.constant 2047 : i32
    %sub3A_323 = vector.broadcast %sub3A_322 : i32 to vector<512x1xi32>
    %sub3A_324 = arith.subi %sub3A_323, %and3A_321 : vector<512x1xi32>
    %broadcast_in_dim3A_325 = vector.shape_cast %sub3A_324 : vector<512x1xi32> to vector<512x1xi32>
    %broadcast_in_dim3A_326 = vector.broadcast %broadcast_in_dim3A_325 : vector<512x1xi32> to vector<512x16xi32>
    %select_n3A_327 = arith.select %eq3A_318, %broadcast_in_dim3A_326, %select_n3A_307 : vector<512x16xi1>, vector<512x16xi32>
    %reduce_max3A_328 = arith.constant dense<-2147483648> : vector<512xi32>
    %reduce_max3A_329 = vector.multi_reduction <maxsi>, %select_n3A_315, %reduce_max3A_328 [1] : vector<512x2048xi32> to vector<512xi32>
    %broadcast_in_dim3A_330 = vector.shape_cast %reduce_max3A_329 : vector<512xi32> to vector<512x1xi32>
    %eq3A_331 = vector.broadcast %broadcast_in_dim3A_330 : vector<512x1xi32> to vector<512x2048xi32>
    %eq3A_332 = arith.cmpi eq, %select_n3A_315, %eq3A_331 : vector<512x2048xi32>
    %jit3A_333 = arith.constant -2147483648 : i32
    %broadcast_in_dim3A_334 = vector.broadcast %jit3A_333 : i32 to vector<512x2048xi32>
    %select_n3A_335 = arith.select %eq3A_332, %broadcast_in_dim3A_334, %select_n3A_315 : vector<512x2048xi1>, vector<512x2048xi32>
    %eq3A_336 = arith.constant 9 : i32
    %eq3A_337 = vector.broadcast %eq3A_336 : i32 to vector<512x16xi32>
    %eq3A_338 = arith.cmpi eq, %iota3A_148, %eq3A_337 : vector<512x16xi32>
    %and3A_339 = arith.constant 2047 : i32
    %and3A_340 = vector.broadcast %and3A_339 : i32 to vector<512x1xi32>
    %and3A_341 = arith.andi %broadcast_in_dim3A_330, %and3A_340 : vector<512x1xi32>
    %sub3A_342 = arith.constant 2047 : i32
    %sub3A_343 = vector.broadcast %sub3A_342 : i32 to vector<512x1xi32>
    %sub3A_344 = arith.subi %sub3A_343, %and3A_341 : vector<512x1xi32>
    %broadcast_in_dim3A_345 = vector.shape_cast %sub3A_344 : vector<512x1xi32> to vector<512x1xi32>
    %broadcast_in_dim3A_346 = vector.broadcast %broadcast_in_dim3A_345 : vector<512x1xi32> to vector<512x16xi32>
    %select_n3A_347 = arith.select %eq3A_338, %broadcast_in_dim3A_346, %select_n3A_327 : vector<512x16xi1>, vector<512x16xi32>
    %reduce_max3A_348 = arith.constant dense<-2147483648> : vector<512xi32>
    %reduce_max3A_349 = vector.multi_reduction <maxsi>, %select_n3A_335, %reduce_max3A_348 [1] : vector<512x2048xi32> to vector<512xi32>
    %broadcast_in_dim3A_350 = vector.shape_cast %reduce_max3A_349 : vector<512xi32> to vector<512x1xi32>
    %eq3A_351 = vector.broadcast %broadcast_in_dim3A_350 : vector<512x1xi32> to vector<512x2048xi32>
    %eq3A_352 = arith.cmpi eq, %select_n3A_335, %eq3A_351 : vector<512x2048xi32>
    %jit3A_353 = arith.constant -2147483648 : i32
    %broadcast_in_dim3A_354 = vector.broadcast %jit3A_353 : i32 to vector<512x2048xi32>
    %select_n3A_355 = arith.select %eq3A_352, %broadcast_in_dim3A_354, %select_n3A_335 : vector<512x2048xi1>, vector<512x2048xi32>
    %eq3A_356 = arith.constant 10 : i32
    %eq3A_357 = vector.broadcast %eq3A_356 : i32 to vector<512x16xi32>
    %eq3A_358 = arith.cmpi eq, %iota3A_148, %eq3A_357 : vector<512x16xi32>
    %and3A_359 = arith.constant 2047 : i32
    %and3A_360 = vector.broadcast %and3A_359 : i32 to vector<512x1xi32>
    %and3A_361 = arith.andi %broadcast_in_dim3A_350, %and3A_360 : vector<512x1xi32>
    %sub3A_362 = arith.constant 2047 : i32
    %sub3A_363 = vector.broadcast %sub3A_362 : i32 to vector<512x1xi32>
    %sub3A_364 = arith.subi %sub3A_363, %and3A_361 : vector<512x1xi32>
    %broadcast_in_dim3A_365 = vector.shape_cast %sub3A_364 : vector<512x1xi32> to vector<512x1xi32>
    %broadcast_in_dim3A_366 = vector.broadcast %broadcast_in_dim3A_365 : vector<512x1xi32> to vector<512x16xi32>
    %select_n3A_367 = arith.select %eq3A_358, %broadcast_in_dim3A_366, %select_n3A_347 : vector<512x16xi1>, vector<512x16xi32>
    %reduce_max3A_368 = arith.constant dense<-2147483648> : vector<512xi32>
    %reduce_max3A_369 = vector.multi_reduction <maxsi>, %select_n3A_355, %reduce_max3A_368 [1] : vector<512x2048xi32> to vector<512xi32>
    %broadcast_in_dim3A_370 = vector.shape_cast %reduce_max3A_369 : vector<512xi32> to vector<512x1xi32>
    %eq3A_371 = vector.broadcast %broadcast_in_dim3A_370 : vector<512x1xi32> to vector<512x2048xi32>
    %eq3A_372 = arith.cmpi eq, %select_n3A_355, %eq3A_371 : vector<512x2048xi32>
    %jit3A_373 = arith.constant -2147483648 : i32
    %broadcast_in_dim3A_374 = vector.broadcast %jit3A_373 : i32 to vector<512x2048xi32>
    %select_n3A_375 = arith.select %eq3A_372, %broadcast_in_dim3A_374, %select_n3A_355 : vector<512x2048xi1>, vector<512x2048xi32>
    %eq3A_376 = arith.constant 11 : i32
    %eq3A_377 = vector.broadcast %eq3A_376 : i32 to vector<512x16xi32>
    %eq3A_378 = arith.cmpi eq, %iota3A_148, %eq3A_377 : vector<512x16xi32>
    %and3A_379 = arith.constant 2047 : i32
    %and3A_380 = vector.broadcast %and3A_379 : i32 to vector<512x1xi32>
    %and3A_381 = arith.andi %broadcast_in_dim3A_370, %and3A_380 : vector<512x1xi32>
    %sub3A_382 = arith.constant 2047 : i32
    %sub3A_383 = vector.broadcast %sub3A_382 : i32 to vector<512x1xi32>
    %sub3A_384 = arith.subi %sub3A_383, %and3A_381 : vector<512x1xi32>
    %broadcast_in_dim3A_385 = vector.shape_cast %sub3A_384 : vector<512x1xi32> to vector<512x1xi32>
    %broadcast_in_dim3A_386 = vector.broadcast %broadcast_in_dim3A_385 : vector<512x1xi32> to vector<512x16xi32>
    %select_n3A_387 = arith.select %eq3A_378, %broadcast_in_dim3A_386, %select_n3A_367 : vector<512x16xi1>, vector<512x16xi32>
    %reduce_max3A_388 = arith.constant dense<-2147483648> : vector<512xi32>
    %reduce_max3A_389 = vector.multi_reduction <maxsi>, %select_n3A_375, %reduce_max3A_388 [1] : vector<512x2048xi32> to vector<512xi32>
    %broadcast_in_dim3A_390 = vector.shape_cast %reduce_max3A_389 : vector<512xi32> to vector<512x1xi32>
    %eq3A_391 = vector.broadcast %broadcast_in_dim3A_390 : vector<512x1xi32> to vector<512x2048xi32>
    %eq3A_392 = arith.cmpi eq, %select_n3A_375, %eq3A_391 : vector<512x2048xi32>
    %jit3A_393 = arith.constant -2147483648 : i32
    %broadcast_in_dim3A_394 = vector.broadcast %jit3A_393 : i32 to vector<512x2048xi32>
    %select_n3A_395 = arith.select %eq3A_392, %broadcast_in_dim3A_394, %select_n3A_375 : vector<512x2048xi1>, vector<512x2048xi32>
    %eq3A_396 = arith.constant 12 : i32
    %eq3A_397 = vector.broadcast %eq3A_396 : i32 to vector<512x16xi32>
    %eq3A_398 = arith.cmpi eq, %iota3A_148, %eq3A_397 : vector<512x16xi32>
    %and3A_399 = arith.constant 2047 : i32
    %and3A_400 = vector.broadcast %and3A_399 : i32 to vector<512x1xi32>
    %and3A_401 = arith.andi %broadcast_in_dim3A_390, %and3A_400 : vector<512x1xi32>
    %sub3A_402 = arith.constant 2047 : i32
    %sub3A_403 = vector.broadcast %sub3A_402 : i32 to vector<512x1xi32>
    %sub3A_404 = arith.subi %sub3A_403, %and3A_401 : vector<512x1xi32>
    %broadcast_in_dim3A_405 = vector.shape_cast %sub3A_404 : vector<512x1xi32> to vector<512x1xi32>
    %broadcast_in_dim3A_406 = vector.broadcast %broadcast_in_dim3A_405 : vector<512x1xi32> to vector<512x16xi32>
    %select_n3A_407 = arith.select %eq3A_398, %broadcast_in_dim3A_406, %select_n3A_387 : vector<512x16xi1>, vector<512x16xi32>
    %reduce_max3A_408 = arith.constant dense<-2147483648> : vector<512xi32>
    %reduce_max3A_409 = vector.multi_reduction <maxsi>, %select_n3A_395, %reduce_max3A_408 [1] : vector<512x2048xi32> to vector<512xi32>
    %broadcast_in_dim3A_410 = vector.shape_cast %reduce_max3A_409 : vector<512xi32> to vector<512x1xi32>
    %eq3A_411 = vector.broadcast %broadcast_in_dim3A_410 : vector<512x1xi32> to vector<512x2048xi32>
    %eq3A_412 = arith.cmpi eq, %select_n3A_395, %eq3A_411 : vector<512x2048xi32>
    %jit3A_413 = arith.constant -2147483648 : i32
    %broadcast_in_dim3A_414 = vector.broadcast %jit3A_413 : i32 to vector<512x2048xi32>
    %select_n3A_415 = arith.select %eq3A_412, %broadcast_in_dim3A_414, %select_n3A_395 : vector<512x2048xi1>, vector<512x2048xi32>
    %eq3A_416 = arith.constant 13 : i32
    %eq3A_417 = vector.broadcast %eq3A_416 : i32 to vector<512x16xi32>
    %eq3A_418 = arith.cmpi eq, %iota3A_148, %eq3A_417 : vector<512x16xi32>
    %and3A_419 = arith.constant 2047 : i32
    %and3A_420 = vector.broadcast %and3A_419 : i32 to vector<512x1xi32>
    %and3A_421 = arith.andi %broadcast_in_dim3A_410, %and3A_420 : vector<512x1xi32>
    %sub3A_422 = arith.constant 2047 : i32
    %sub3A_423 = vector.broadcast %sub3A_422 : i32 to vector<512x1xi32>
    %sub3A_424 = arith.subi %sub3A_423, %and3A_421 : vector<512x1xi32>
    %broadcast_in_dim3A_425 = vector.shape_cast %sub3A_424 : vector<512x1xi32> to vector<512x1xi32>
    %broadcast_in_dim3A_426 = vector.broadcast %broadcast_in_dim3A_425 : vector<512x1xi32> to vector<512x16xi32>
    %select_n3A_427 = arith.select %eq3A_418, %broadcast_in_dim3A_426, %select_n3A_407 : vector<512x16xi1>, vector<512x16xi32>
    %reduce_max3A_428 = arith.constant dense<-2147483648> : vector<512xi32>
    %reduce_max3A_429 = vector.multi_reduction <maxsi>, %select_n3A_415, %reduce_max3A_428 [1] : vector<512x2048xi32> to vector<512xi32>
    %broadcast_in_dim3A_430 = vector.shape_cast %reduce_max3A_429 : vector<512xi32> to vector<512x1xi32>
    %eq3A_431 = vector.broadcast %broadcast_in_dim3A_430 : vector<512x1xi32> to vector<512x2048xi32>
    %eq3A_432 = arith.cmpi eq, %select_n3A_415, %eq3A_431 : vector<512x2048xi32>
    %jit3A_433 = arith.constant -2147483648 : i32
    %broadcast_in_dim3A_434 = vector.broadcast %jit3A_433 : i32 to vector<512x2048xi32>
    %select_n3A_435 = arith.select %eq3A_432, %broadcast_in_dim3A_434, %select_n3A_415 : vector<512x2048xi1>, vector<512x2048xi32>
    %eq3A_436 = arith.constant 14 : i32
    %eq3A_437 = vector.broadcast %eq3A_436 : i32 to vector<512x16xi32>
    %eq3A_438 = arith.cmpi eq, %iota3A_148, %eq3A_437 : vector<512x16xi32>
    %and3A_439 = arith.constant 2047 : i32
    %and3A_440 = vector.broadcast %and3A_439 : i32 to vector<512x1xi32>
    %and3A_441 = arith.andi %broadcast_in_dim3A_430, %and3A_440 : vector<512x1xi32>
    %sub3A_442 = arith.constant 2047 : i32
    %sub3A_443 = vector.broadcast %sub3A_442 : i32 to vector<512x1xi32>
    %sub3A_444 = arith.subi %sub3A_443, %and3A_441 : vector<512x1xi32>
    %broadcast_in_dim3A_445 = vector.shape_cast %sub3A_444 : vector<512x1xi32> to vector<512x1xi32>
    %broadcast_in_dim3A_446 = vector.broadcast %broadcast_in_dim3A_445 : vector<512x1xi32> to vector<512x16xi32>
    %select_n3A_447 = arith.select %eq3A_438, %broadcast_in_dim3A_446, %select_n3A_427 : vector<512x16xi1>, vector<512x16xi32>
    %reduce_max3A_448 = arith.constant dense<-2147483648> : vector<512xi32>
    %reduce_max3A_449 = vector.multi_reduction <maxsi>, %select_n3A_435, %reduce_max3A_448 [1] : vector<512x2048xi32> to vector<512xi32>
    %broadcast_in_dim3A_450 = vector.shape_cast %reduce_max3A_449 : vector<512xi32> to vector<512x1xi32>
    %eq3A_451 = arith.constant 15 : i32
    %eq3A_452 = vector.broadcast %eq3A_451 : i32 to vector<512x16xi32>
    %eq3A_453 = arith.cmpi eq, %iota3A_148, %eq3A_452 : vector<512x16xi32>
    %and3A_454 = arith.constant 2047 : i32
    %and3A_455 = vector.broadcast %and3A_454 : i32 to vector<512x1xi32>
    %and3A_456 = arith.andi %broadcast_in_dim3A_450, %and3A_455 : vector<512x1xi32>
    %sub3A_457 = arith.constant 2047 : i32
    %sub3A_458 = vector.broadcast %sub3A_457 : i32 to vector<512x1xi32>
    %sub3A_459 = arith.subi %sub3A_458, %and3A_456 : vector<512x1xi32>
    %broadcast_in_dim3A_460 = vector.shape_cast %sub3A_459 : vector<512x1xi32> to vector<512x1xi32>
    %broadcast_in_dim3A_461 = vector.broadcast %broadcast_in_dim3A_460 : vector<512x1xi32> to vector<512x16xi32>
    %select_n3A_462 = arith.select %eq3A_453, %broadcast_in_dim3A_461, %select_n3A_447 : vector<512x16xi1>, vector<512x16xi32>
    %swap3A_463 = arith.constant 0 : index
    %swap3A_464 = arith.constant 0 : index
    %swap3A_465 = arith.constant 0 : index
    %swap3A_466 = vector.load %arg13[%swap3A_463, %swap3A_464, %swap3A_465] : memref<1x512x16xi32, #tpu.memory_space<vmem>>, vector<1x512x16xi32>
    %swap3A_467 = vector.shape_cast %swap3A_466 : vector<1x512x16xi32> to vector<512x16xi32>
    %swap3A_468 = vector.shape_cast %select_n3A_462 : vector<512x16xi32> to vector<1x512x16xi32>
    tpu.vector_store %arg13[%swap3A_463, %swap3A_464, %swap3A_465], %swap3A_468 {strides = array<i32>} : memref<1x512x16xi32, #tpu.memory_space<vmem>>, vector<1x512x16xi32>,
    return
  }
  func.func @transform_0(%arg0: i32, %arg1: i32) -> (i32, i32, i32) {
    %c0_i32 = arith.constant 0 : i32
    %c0_i32_0 = arith.constant 0 : i32
    return %arg0, %c0_i32, %arg1 : i32, i32, i32
  }
  func.func @transform_1(%arg0: i32, %arg1: i32) -> (i32, i32, i32) {
    %c0_i32 = arith.constant 0 : i32
    %c0_i32_0 = arith.constant 0 : i32
    return %arg0, %arg1, %c0_i32 : i32, i32, i32
  }
  func.func @transform_2(%arg0: i32, %arg1: i32) -> (i32, i32, i32) {
    %c0_i32 = arith.constant 0 : i32
    %c0_i32_0 = arith.constant 0 : i32
    %c0_i32_1 = arith.constant 0 : i32
    return %arg0, %c0_i32, %c0_i32_0 : i32, i32, i32
  }
  func.func @transform_3(%arg0: i32, %arg1: i32) -> (i32, i32) {
    %c0_i32 = arith.constant 0 : i32
    %c0_i32_0 = arith.constant 0 : i32
    %c0_i32_1 = arith.constant 0 : i32
    return %c0_i32, %c0_i32_0 : i32, i32
  }
  func.func @transform_4(%arg0: i32, %arg1: i32) -> (i32, i32) {
    %c0_i32 = arith.constant 0 : i32
    %c0_i32_0 = arith.constant 0 : i32
    %c0_i32_1 = arith.constant 0 : i32
    return %c0_i32, %c0_i32_0 : i32, i32
  }
  func.func @transform_5(%arg0: i32, %arg1: i32) -> (i32, i32) {
    %c0_i32 = arith.constant 0 : i32
    %c0_i32_0 = arith.constant 0 : i32
    %c0_i32_1 = arith.constant 0 : i32
    return %c0_i32, %c0_i32_0 : i32, i32
  }
  func.func @transform_6(%arg0: i32, %arg1: i32) -> (i32, i32) {
    %c0_i32 = arith.constant 0 : i32
    %c0_i32_0 = arith.constant 0 : i32
    %c0_i32_1 = arith.constant 0 : i32
    return %c0_i32, %c0_i32_0 : i32, i32
  }
  func.func @transform_7(%arg0: i32, %arg1: i32) -> (i32, i32) {
    %c0_i32 = arith.constant 0 : i32
    %c0_i32_0 = arith.constant 0 : i32
    %c0_i32_1 = arith.constant 0 : i32
    return %c0_i32, %c0_i32_0 : i32, i32
  }
  func.func @transform_8(%arg0: i32, %arg1: i32) -> (i32, i32, i32) {
    %c0_i32 = arith.constant 0 : i32
    %c0_i32_0 = arith.constant 0 : i32
    return %arg0, %arg1, %c0_i32 : i32, i32, i32
  }
  func.func @transform_9(%arg0: i32, %arg1: i32) -> (i32, i32, i32) {
    %c0_i32 = arith.constant 0 : i32
    %c0_i32_0 = arith.constant 0 : i32
    return %arg0, %arg1, %c0_i32 : i32, i32, i32
  }
  func.func @transform_10(%arg0: i32, %arg1: i32) -> (i32, i32, i32) {
    %c0_i32 = arith.constant 0 : i32
    %c0_i32_0 = arith.constant 0 : i32
    return %arg0, %arg1, %c0_i32 : i32, i32, i32
  }
  func.func @transform_11(%arg0: i32, %arg1: i32) -> (i32, i32, i32) {
    %c0_i32 = arith.constant 0 : i32
    %c0_i32_0 = arith.constant 0 : i32
    return %arg0, %arg1, %c0_i32 : i32, i32, i32
  }
}

module attributes {stable_mosaic.version = 14 : i64} {
  func.func @_attn_body(%arg0: i32, %arg1: i32, %arg2: memref<4096x256xi32, #tpu.memory_space<vmem>>, %arg3: memref<1x256x128xf32, #tpu.memory_space<vmem>>, %arg4: memref<1x256x256xf32, #tpu.memory_space<vmem>>, %arg5: memref<1x256x256xf32, #tpu.memory_space<vmem>>, %arg6: memref<128x256xf32, #tpu.memory_space<vmem>>, %arg7: memref<1x256xf32, #tpu.memory_space<vmem>>, %arg8: memref<256x512xf32, #tpu.memory_space<vmem>>, %arg9: memref<1x256xf32, #tpu.memory_space<vmem>>, %arg10: memref<1x256xf32, #tpu.memory_space<vmem>>, %arg11: memref<256x512xf32, #tpu.memory_space<vmem>>, %arg12: memref<1x256xf32, #tpu.memory_space<vmem>>, %arg13: memref<1x256xf32, #tpu.memory_space<vmem>>, %arg14: memref<256x1024xf32, #tpu.memory_space<vmem>>, %arg15: memref<1x1024xf32, #tpu.memory_space<vmem>>, %arg16: memref<1024x256xf32, #tpu.memory_space<vmem>>, %arg17: memref<1x256xf32, #tpu.memory_space<vmem>>, %arg18: memref<1x256x256xf32, #tpu.memory_space<vmem>>) attributes {dimension_semantics = [#tpu.dimension_semantics<arbitrary>, #tpu.dimension_semantics<arbitrary>], iteration_bounds = array<i64: 1, 8>, scalar_prefetch = 0 : i64, scratch_operands = 0 : i64, tpu.core_type = #tpu.core_type<tc>, window_params = [{transform_indices = @transform_0, window_bounds = array<i64: 4096, 256>}, {transform_indices = @transform_1, window_bounds = array<i64: 1, 256, 128>}, {transform_indices = @transform_2, window_bounds = array<i64: 1, 256, 256>}, {transform_indices = @transform_3, window_bounds = array<i64: 1, 256, 256>}, {pipeline_mode = #tpu.pipeline_mode<synchronous>, transform_indices = @transform_4, window_bounds = array<i64: 128, 256>}, {pipeline_mode = #tpu.pipeline_mode<synchronous>, transform_indices = @transform_5, window_bounds = array<i64: 1, 256>}, {pipeline_mode = #tpu.pipeline_mode<synchronous>, transform_indices = @transform_6, window_bounds = array<i64: 256, 512>}, {pipeline_mode = #tpu.pipeline_mode<synchronous>, transform_indices = @transform_7, window_bounds = array<i64: 1, 256>}, {pipeline_mode = #tpu.pipeline_mode<synchronous>, transform_indices = @transform_8, window_bounds = array<i64: 1, 256>}, {pipeline_mode = #tpu.pipeline_mode<synchronous>, transform_indices = @transform_9, window_bounds = array<i64: 256, 512>}, {pipeline_mode = #tpu.pipeline_mode<synchronous>, transform_indices = @transform_10, window_bounds = array<i64: 1, 256>}, {pipeline_mode = #tpu.pipeline_mode<synchronous>, transform_indices = @transform_11, window_bounds = array<i64: 1, 256>}, {pipeline_mode = #tpu.pipeline_mode<synchronous>, transform_indices = @transform_12, window_bounds = array<i64: 256, 1024>}, {pipeline_mode = #tpu.pipeline_mode<synchronous>, transform_indices = @transform_13, window_bounds = array<i64: 1, 1024>}, {pipeline_mode = #tpu.pipeline_mode<synchronous>, transform_indices = @transform_14, window_bounds = array<i64: 1024, 256>}, {pipeline_mode = #tpu.pipeline_mode<synchronous>, transform_indices = @transform_15, window_bounds = array<i64: 1, 256>}, {transform_indices = @transform_16, window_bounds = array<i64: 1, 256, 256>}]} {
    %get3A = arith.constant 0 : index
    %get3A_0 = arith.constant 0 : index
    %get3A_1 = vector.load %arg2[%get3A, %get3A_0] : memref<4096x256xi32, #tpu.memory_space<vmem>>, vector<4096x128xi32>
    %get3A_2 = arith.constant 0 : index
    %get3A_3 = arith.constant 128 : index
    %get3A_4 = vector.load %arg2[%get3A_2, %get3A_3] : memref<4096x256xi32, #tpu.memory_space<vmem>>, vector<4096x128xi32>
    %shift_left3A = arith.constant 16 : i32
    %shift_left3A_5 = vector.broadcast %shift_left3A : i32 to vector<4096x128xi32>
    %shift_left3A_6 = arith.shli %get3A_1, %shift_left3A_5 : vector<4096x128xi32>
    %bitcast_convert_type3A = tpu.bitcast %shift_left3A_6 : vector<4096x128xi32> -> vector<4096x128xf32>
    %and3A = arith.constant -65536 : i32
    %and3A_7 = vector.broadcast %and3A : i32 to vector<4096x128xi32>
    %and3A_8 = arith.andi %get3A_1, %and3A_7 : vector<4096x128xi32>
    %bitcast_convert_type3A_9 = tpu.bitcast %and3A_8 : vector<4096x128xi32> -> vector<4096x128xf32>
    %concatenate3A = tpu.concatenate %bitcast_convert_type3A, %bitcast_convert_type3A_9 in 1 : vector<4096x128xf32>, vector<4096x128xf32> -> vector<4096x256xf32>
    %shift_left3A_10 = arith.constant 16 : i32
    %shift_left3A_11 = vector.broadcast %shift_left3A_10 : i32 to vector<4096x128xi32>
    %shift_left3A_12 = arith.shli %get3A_4, %shift_left3A_11 : vector<4096x128xi32>
    %bitcast_convert_type3A_13 = tpu.bitcast %shift_left3A_12 : vector<4096x128xi32> -> vector<4096x128xf32>
    %and3A_14 = arith.constant -65536 : i32
    %and3A_15 = vector.broadcast %and3A_14 : i32 to vector<4096x128xi32>
    %and3A_16 = arith.andi %get3A_4, %and3A_15 : vector<4096x128xi32>
    %bitcast_convert_type3A_17 = tpu.bitcast %and3A_16 : vector<4096x128xi32> -> vector<4096x128xf32>
    %add3A = arith.addf %bitcast_convert_type3A_13, %bitcast_convert_type3A_17 : vector<4096x128xf32>
    %get3A_18 = arith.constant 0 : index
    %get3A_19 = arith.constant 0 : index
    %get3A_20 = arith.constant 0 : index
    %get3A_21 = vector.load %arg3[%get3A_18, %get3A_19, %get3A_20] : memref<1x256x128xf32, #tpu.memory_space<vmem>>, vector<1x256x128xf32>
    %get3A_22 = vector.shape_cast %get3A_21 : vector<1x256x128xf32> to vector<256x128xf32>
    %reshape3A = vector.shape_cast %get3A_22 : vector<256x128xf32> to vector<256x1x128xf32>
    %reshape3A_23 = vector.shape_cast %add3A : vector<4096x128xf32> to vector<256x16x128xf32>
    %sub3A = vector.broadcast %reshape3A : vector<256x1x128xf32> to vector<256x16x128xf32>
    %sub3A_24 = arith.subf %sub3A, %reshape3A_23 : vector<256x16x128xf32>
    %reshape3A_25 = vector.shape_cast %sub3A_24 : vector<256x16x128xf32> to vector<4096x128xf32>
    %get3A_26 = arith.constant 0 : index
    %get3A_27 = arith.constant 0 : index
    %get3A_28 = vector.load %arg6[%get3A_26, %get3A_27] : memref<128x256xf32, #tpu.memory_space<vmem>>, vector<128x256xf32>
    %convert_element_type3A = arith.truncf %reshape3A_25 : vector<4096x128xf32> to vector<4096x128xbf16>
    %convert_element_type3A_29 = arith.truncf %get3A_28 : vector<128x256xf32> to vector<128x256xbf16>
    %dot_general3A = arith.constant dense<0.000000e+00> : vector<4096x256xf32>
    %dot_general3A_30 = tpu.matmul %convert_element_type3A, %convert_element_type3A_29, %dot_general3A {dimension_numbers = #tpu.dot_dimension_numbers<[1], [0], [0], [1], [0, 0, 1, 1], [], []>, transpose_lhs_hint = false} : vector<4096x128xbf16>, vector<128x256xbf16>, vector<4096x256xf32> -> vector<4096x256xf32>
    %get3A_31 = arith.constant 0 : index
    %get3A_32 = arith.constant 0 : index
    %get3A_33 = vector.load %arg7[%get3A_31, %get3A_32] : memref<1x256xf32, #tpu.memory_space<vmem>>, vector<1x256xf32>
    %add3A_34 = vector.broadcast %get3A_33 : vector<1x256xf32> to vector<4096x256xf32>
    %add3A_35 = arith.addf %dot_general3A_30, %add3A_34 : vector<4096x256xf32>
    %max3A = arith.constant 0.000000e+00 : f32
    %max3A_36 = vector.broadcast %max3A : f32 to vector<4096x256xf32>
    %max3A_37 = arith.maximumf %add3A_35, %max3A_36 : vector<4096x256xf32>
    %get3A_38 = arith.constant 0 : index
    %get3A_39 = arith.constant 0 : index
    %get3A_40 = vector.load %arg8[%get3A_38, %get3A_39] : memref<256x512xf32, #tpu.memory_space<vmem>>, vector<256x512xf32>
    %convert_element_type3A_41 = arith.truncf %max3A_37 : vector<4096x256xf32> to vector<4096x256xbf16>
    %convert_element_type3A_42 = arith.truncf %get3A_40 : vector<256x512xf32> to vector<256x512xbf16>
    %dot_general3A_43 = arith.constant dense<0.000000e+00> : vector<4096x512xf32>
    %dot_general3A_44 = tpu.matmul %convert_element_type3A_41, %convert_element_type3A_42, %dot_general3A_43 {dimension_numbers = #tpu.dot_dimension_numbers<[1], [0], [0], [1], [0, 0, 1, 1], [], []>, transpose_lhs_hint = false} : vector<4096x256xbf16>, vector<256x512xbf16>, vector<4096x512xf32> -> vector<4096x512xf32>
    %slice3A = vector.extract_strided_slice %dot_general3A_44 {offsets = [0, 0], sizes = [4096, 256], strides = [1, 1]} : vector<4096x512xf32> to vector<4096x256xf32>
    %get3A_45 = arith.constant 0 : index
    %get3A_46 = arith.constant 0 : index
    %get3A_47 = vector.load %arg9[%get3A_45, %get3A_46] : memref<1x256xf32, #tpu.memory_space<vmem>>, vector<1x256xf32>
    %add3A_48 = vector.broadcast %get3A_47 : vector<1x256xf32> to vector<4096x256xf32>
    %add3A_49 = arith.addf %slice3A, %add3A_48 : vector<4096x256xf32>
    %slice3A_50 = vector.extract_strided_slice %dot_general3A_44 {offsets = [0, 256], sizes = [4096, 256], strides = [1, 1]} : vector<4096x512xf32> to vector<4096x256xf32>
    %get3A_51 = arith.constant 0 : index
    %get3A_52 = arith.constant 0 : index
    %get3A_53 = vector.load %arg11[%get3A_51, %get3A_52] : memref<256x512xf32, #tpu.memory_space<vmem>>, vector<256x512xf32>
    %convert_element_type3A_54 = arith.truncf %concatenate3A : vector<4096x256xf32> to vector<4096x256xbf16>
    %convert_element_type3A_55 = arith.truncf %get3A_53 : vector<256x512xf32> to vector<256x512xbf16>
    %dot_general3A_56 = arith.constant dense<0.000000e+00> : vector<4096x512xf32>
    %dot_general3A_57 = tpu.matmul %convert_element_type3A_54, %convert_element_type3A_55, %dot_general3A_56 {dimension_numbers = #tpu.dot_dimension_numbers<[1], [0], [0], [1], [0, 0, 1, 1], [], []>, transpose_lhs_hint = false} : vector<4096x256xbf16>, vector<256x512xbf16>, vector<4096x512xf32> -> vector<4096x512xf32>
    %slice3A_58 = vector.extract_strided_slice %dot_general3A_57 {offsets = [0, 0], sizes = [4096, 256], strides = [1, 1]} : vector<4096x512xf32> to vector<4096x256xf32>
    %slice3A_59 = vector.extract_strided_slice %dot_general3A_57 {offsets = [0, 256], sizes = [4096, 256], strides = [1, 1]} : vector<4096x512xf32> to vector<4096x256xf32>
    %get3A_60 = arith.constant 0 : index
    %get3A_61 = arith.constant 0 : index
    %get3A_62 = arith.constant 0 : index
    %get3A_63 = vector.load %arg4[%get3A_60, %get3A_61, %get3A_62] : memref<1x256x256xf32, #tpu.memory_space<vmem>>, vector<1x256x256xf32>
    %get3A_64 = vector.shape_cast %get3A_63 : vector<1x256x256xf32> to vector<256x256xf32>
    %reshape3A_65 = vector.shape_cast %get3A_64 : vector<256x256xf32> to vector<256x1x256xf32>
    %reshape3A_66 = vector.shape_cast %slice3A_58 : vector<4096x256xf32> to vector<256x16x256xf32>
    %sub3A_67 = vector.broadcast %reshape3A_65 : vector<256x1x256xf32> to vector<256x16x256xf32>
    %sub3A_68 = arith.subf %sub3A_67, %reshape3A_66 : vector<256x16x256xf32>
    %reshape3A_69 = vector.shape_cast %slice3A_50 : vector<4096x256xf32> to vector<256x16x256xf32>
    %add3A_70 = arith.addf %sub3A_68, %reshape3A_69 : vector<256x16x256xf32>
    %get3A_71 = arith.constant 0 : index
    %get3A_72 = arith.constant 0 : index
    %get3A_73 = vector.load %arg10[%get3A_71, %get3A_72] : memref<1x256xf32, #tpu.memory_space<vmem>>, vector<1x256xf32>
    %broadcast_in_dim3A = vector.shape_cast %get3A_73 : vector<1x256xf32> to vector<1x1x256xf32>
    %add3A_74 = vector.broadcast %broadcast_in_dim3A : vector<1x1x256xf32> to vector<256x16x256xf32>
    %add3A_75 = arith.addf %add3A_70, %add3A_74 : vector<256x16x256xf32>
    %add3A_76 = arith.addf %slice3A_59, %add3A_49 : vector<4096x256xf32>
    %reshape3A_77 = vector.shape_cast %add3A_76 : vector<4096x256xf32> to vector<256x16x256xf32>
    %exp3A = math.exp %add3A_75 : vector<256x16x256xf32>
    %reduce_sum3A = arith.constant dense<0.000000e+00> : vector<256x256xf32>
    %reduce_sum3A_78 = vector.multi_reduction <add>, %exp3A, %reduce_sum3A [1] : vector<256x16x256xf32> to vector<256x256xf32>
    %mul3A = arith.mulf %exp3A, %reshape3A_77 : vector<256x16x256xf32>
    %reduce_sum3A_79 = arith.constant dense<0.000000e+00> : vector<256x256xf32>
    %reduce_sum3A_80 = vector.multi_reduction <add>, %mul3A, %reduce_sum3A_79 [1] : vector<256x16x256xf32> to vector<256x256xf32>
    %div3A = arith.divf %reduce_sum3A_80, %reduce_sum3A_78 : vector<256x256xf32>
    %get3A_81 = arith.constant 0 : index
    %get3A_82 = arith.constant 0 : index
    %get3A_83 = arith.constant 0 : index
    %get3A_84 = vector.load %arg5[%get3A_81, %get3A_82, %get3A_83] : memref<1x256x256xf32, #tpu.memory_space<vmem>>, vector<1x256x256xf32>
    %get3A_85 = vector.shape_cast %get3A_84 : vector<1x256x256xf32> to vector<256x256xf32>
    %add3A_86 = arith.addf %get3A_85, %div3A : vector<256x256xf32>
    %reduce_sum3A_87 = arith.constant dense<0.000000e+00> : vector<256xf32>
    %reduce_sum3A_88 = vector.multi_reduction <add>, %add3A_86, %reduce_sum3A_87 [1] : vector<256x256xf32> to vector<256xf32>
    %broadcast_in_dim3A_89 = vector.shape_cast %reduce_sum3A_88 : vector<256xf32> to vector<256x1xf32>
    %div3A_90 = arith.constant 2.560000e+02 : f32
    %div3A_91 = vector.broadcast %div3A_90 : f32 to vector<256x1xf32>
    %div3A_92 = arith.divf %broadcast_in_dim3A_89, %div3A_91 : vector<256x1xf32>
    %sub3A_93 = vector.broadcast %div3A_92 : vector<256x1xf32> to vector<256x256xf32>
    %sub3A_94 = arith.subf %add3A_86, %sub3A_93 : vector<256x256xf32>
    %integer_pow3A = arith.mulf %sub3A_94, %sub3A_94 : vector<256x256xf32>
    %reduce_sum3A_95 = arith.constant dense<0.000000e+00> : vector<256xf32>
    %reduce_sum3A_96 = vector.multi_reduction <add>, %integer_pow3A, %reduce_sum3A_95 [1] : vector<256x256xf32> to vector<256xf32>
    %broadcast_in_dim3A_97 = vector.shape_cast %reduce_sum3A_96 : vector<256xf32> to vector<256x1xf32>
    %div3A_98 = arith.constant 2.560000e+02 : f32
    %div3A_99 = vector.broadcast %div3A_98 : f32 to vector<256x1xf32>
    %div3A_100 = arith.divf %broadcast_in_dim3A_97, %div3A_99 : vector<256x1xf32>
    %sub3A_101 = vector.broadcast %div3A_92 : vector<256x1xf32> to vector<256x256xf32>
    %sub3A_102 = arith.subf %add3A_86, %sub3A_101 : vector<256x256xf32>
    %add3A_103 = arith.constant 9.99999974E-6 : f32
    %add3A_104 = vector.broadcast %add3A_103 : f32 to vector<256x1xf32>
    %add3A_105 = arith.addf %div3A_100, %add3A_104 : vector<256x1xf32>
    %rsqrt3A = math.rsqrt %add3A_105 : vector<256x1xf32>
    %mul3A_106 = vector.broadcast %rsqrt3A : vector<256x1xf32> to vector<256x256xf32>
    %mul3A_107 = arith.mulf %sub3A_102, %mul3A_106 : vector<256x256xf32>
    %get3A_108 = arith.constant 0 : index
    %get3A_109 = arith.constant 0 : index
    %get3A_110 = vector.load %arg12[%get3A_108, %get3A_109] : memref<1x256xf32, #tpu.memory_space<vmem>>, vector<1x256xf32>
    %mul3A_111 = vector.broadcast %get3A_110 : vector<1x256xf32> to vector<256x256xf32>
    %mul3A_112 = arith.mulf %mul3A_107, %mul3A_111 : vector<256x256xf32>
    %get3A_113 = arith.constant 0 : index
    %get3A_114 = arith.constant 0 : index
    %get3A_115 = vector.load %arg13[%get3A_113, %get3A_114] : memref<1x256xf32, #tpu.memory_space<vmem>>, vector<1x256xf32>
    %add3A_116 = vector.broadcast %get3A_115 : vector<1x256xf32> to vector<256x256xf32>
    %add3A_117 = arith.addf %mul3A_112, %add3A_116 : vector<256x256xf32>
    %get3A_118 = arith.constant 0 : index
    %get3A_119 = arith.constant 0 : index
    %get3A_120 = vector.load %arg14[%get3A_118, %get3A_119] : memref<256x1024xf32, #tpu.memory_space<vmem>>, vector<256x1024xf32>
    %convert_element_type3A_121 = arith.truncf %add3A_117 : vector<256x256xf32> to vector<256x256xbf16>
    %convert_element_type3A_122 = arith.truncf %get3A_120 : vector<256x1024xf32> to vector<256x1024xbf16>
    %dot_general3A_123 = arith.constant dense<0.000000e+00> : vector<256x1024xf32>
    %dot_general3A_124 = tpu.matmul %convert_element_type3A_121, %convert_element_type3A_122, %dot_general3A_123 {dimension_numbers = #tpu.dot_dimension_numbers<[1], [0], [0], [1], [0, 0, 1, 1], [], []>, transpose_lhs_hint = false} : vector<256x256xbf16>, vector<256x1024xbf16>, vector<256x1024xf32> -> vector<256x1024xf32>
    %get3A_125 = arith.constant 0 : index
    %get3A_126 = arith.constant 0 : index
    %get3A_127 = vector.load %arg15[%get3A_125, %get3A_126] : memref<1x1024xf32, #tpu.memory_space<vmem>>, vector<1x1024xf32>
    %add3A_128 = vector.broadcast %get3A_127 : vector<1x1024xf32> to vector<256x1024xf32>
    %add3A_129 = arith.addf %dot_general3A_124, %add3A_128 : vector<256x1024xf32>
    %max3A_130 = arith.constant 0.000000e+00 : f32
    %max3A_131 = vector.broadcast %max3A_130 : f32 to vector<256x1024xf32>
    %max3A_132 = arith.maximumf %add3A_129, %max3A_131 : vector<256x1024xf32>
    %get3A_133 = arith.constant 0 : index
    %get3A_134 = arith.constant 0 : index
    %get3A_135 = vector.load %arg16[%get3A_133, %get3A_134] : memref<1024x256xf32, #tpu.memory_space<vmem>>, vector<1024x256xf32>
    %convert_element_type3A_136 = arith.truncf %max3A_132 : vector<256x1024xf32> to vector<256x1024xbf16>
    %convert_element_type3A_137 = arith.truncf %get3A_135 : vector<1024x256xf32> to vector<1024x256xbf16>
    %dot_general3A_138 = arith.constant dense<0.000000e+00> : vector<256x256xf32>
    %dot_general3A_139 = tpu.matmul %convert_element_type3A_136, %convert_element_type3A_137, %dot_general3A_138 {dimension_numbers = #tpu.dot_dimension_numbers<[1], [0], [0], [1], [0, 0, 1, 1], [], []>, transpose_lhs_hint = false} : vector<256x1024xbf16>, vector<1024x256xbf16>, vector<256x256xf32> -> vector<256x256xf32>
    %add3A_140 = arith.addf %add3A_86, %dot_general3A_139 : vector<256x256xf32>
    %get3A_141 = arith.constant 0 : index
    %get3A_142 = arith.constant 0 : index
    %get3A_143 = vector.load %arg17[%get3A_141, %get3A_142] : memref<1x256xf32, #tpu.memory_space<vmem>>, vector<1x256xf32>
    %add3A_144 = vector.broadcast %get3A_143 : vector<1x256xf32> to vector<256x256xf32>
    %add3A_145 = arith.addf %add3A_140, %add3A_144 : vector<256x256xf32>
    %transpose3A = tpu.transpose %add3A_145, [1, 0] : vector<256x256xf32> -> vector<256x256xf32>
    %swap3A = arith.constant 0 : index
    %swap3A_146 = arith.constant 0 : index
    %swap3A_147 = arith.constant 0 : index
    %swap3A_148 = vector.load %arg18[%swap3A, %swap3A_146, %swap3A_147] : memref<1x256x256xf32, #tpu.memory_space<vmem>>, vector<1x256x256xf32>
    %swap3A_149 = vector.shape_cast %swap3A_148 : vector<1x256x256xf32> to vector<256x256xf32>
    %swap3A_150 = vector.shape_cast %transpose3A : vector<256x256xf32> to vector<1x256x256xf32>
    tpu.vector_store %arg18[%swap3A, %swap3A_146, %swap3A_147], %swap3A_150 {strides = array<i32>} : memref<1x256x256xf32, #tpu.memory_space<vmem>>, vector<1x256x256xf32>,
    return
  }
  func.func @transform_0(%arg0: i32, %arg1: i32) -> (i32, i32) {
    %mul3A = arith.constant 8 : i32
    %mul3A_0 = arith.muli %arg0, %mul3A : i32
    %add3A = arith.addi %mul3A_0, %arg1 : i32
    %c0_i32 = arith.constant 0 : i32
    %c0_i32_1 = arith.constant 0 : i32
    return %add3A, %c0_i32 : i32, i32
  }
  func.func @transform_1(%arg0: i32, %arg1: i32) -> (i32, i32, i32) {
    %c0_i32 = arith.constant 0 : i32
    %c0_i32_0 = arith.constant 0 : i32
    return %arg0, %arg1, %c0_i32 : i32, i32, i32
  }
  func.func @transform_2(%arg0: i32, %arg1: i32) -> (i32, i32, i32) {
    %c0_i32 = arith.constant 0 : i32
    %c0_i32_0 = arith.constant 0 : i32
    return %arg0, %arg1, %c0_i32 : i32, i32, i32
  }
  func.func @transform_3(%arg0: i32, %arg1: i32) -> (i32, i32, i32) {
    %c0_i32 = arith.constant 0 : i32
    %c0_i32_0 = arith.constant 0 : i32
    return %arg0, %arg1, %c0_i32 : i32, i32, i32
  }
  func.func @transform_4(%arg0: i32, %arg1: i32) -> (i32, i32) {
    %c0_i32 = arith.constant 0 : i32
    %c0_i32_0 = arith.constant 0 : i32
    %c0_i32_1 = arith.constant 0 : i32
    return %c0_i32, %c0_i32_0 : i32, i32
  }
  func.func @transform_5(%arg0: i32, %arg1: i32) -> (i32, i32) {
    %c0_i32 = arith.constant 0 : i32
    %c0_i32_0 = arith.constant 0 : i32
    %c0_i32_1 = arith.constant 0 : i32
    return %c0_i32, %c0_i32_0 : i32, i32
  }
  func.func @transform_6(%arg0: i32, %arg1: i32) -> (i32, i32) {
    %c0_i32 = arith.constant 0 : i32
    %c0_i32_0 = arith.constant 0 : i32
    %c0_i32_1 = arith.constant 0 : i32
    return %c0_i32, %c0_i32_0 : i32, i32
  }
  func.func @transform_7(%arg0: i32, %arg1: i32) -> (i32, i32) {
    %c0_i32 = arith.constant 0 : i32
    %c0_i32_0 = arith.constant 0 : i32
    %c0_i32_1 = arith.constant 0 : i32
    return %c0_i32, %c0_i32_0 : i32, i32
  }
  func.func @transform_8(%arg0: i32, %arg1: i32) -> (i32, i32) {
    %c0_i32 = arith.constant 0 : i32
    %c0_i32_0 = arith.constant 0 : i32
    %c0_i32_1 = arith.constant 0 : i32
    return %c0_i32, %c0_i32_0 : i32, i32
  }
  func.func @transform_9(%arg0: i32, %arg1: i32) -> (i32, i32) {
    %c0_i32 = arith.constant 0 : i32
    %c0_i32_0 = arith.constant 0 : i32
    %c0_i32_1 = arith.constant 0 : i32
    return %c0_i32, %c0_i32_0 : i32, i32
  }
  func.func @transform_10(%arg0: i32, %arg1: i32) -> (i32, i32) {
    %c0_i32 = arith.constant 0 : i32
    %c0_i32_0 = arith.constant 0 : i32
    %c0_i32_1 = arith.constant 0 : i32
    return %c0_i32, %c0_i32_0 : i32, i32
  }
  func.func @transform_11(%arg0: i32, %arg1: i32) -> (i32, i32) {
    %c0_i32 = arith.constant 0 : i32
    %c0_i32_0 = arith.constant 0 : i32
    %c0_i32_1 = arith.constant 0 : i32
    return %c0_i32, %c0_i32_0 : i32, i32
  }
  func.func @transform_12(%arg0: i32, %arg1: i32) -> (i32, i32) {
    %c0_i32 = arith.constant 0 : i32
    %c0_i32_0 = arith.constant 0 : i32
    %c0_i32_1 = arith.constant 0 : i32
    return %c0_i32, %c0_i32_0 : i32, i32
  }
  func.func @transform_13(%arg0: i32, %arg1: i32) -> (i32, i32) {
    %c0_i32 = arith.constant 0 : i32
    %c0_i32_0 = arith.constant 0 : i32
    %c0_i32_1 = arith.constant 0 : i32
    return %c0_i32, %c0_i32_0 : i32, i32
  }
  func.func @transform_14(%arg0: i32, %arg1: i32) -> (i32, i32) {
    %c0_i32 = arith.constant 0 : i32
    %c0_i32_0 = arith.constant 0 : i32
    %c0_i32_1 = arith.constant 0 : i32
    return %c0_i32, %c0_i32_0 : i32, i32
  }
  func.func @transform_15(%arg0: i32, %arg1: i32) -> (i32, i32) {
    %c0_i32 = arith.constant 0 : i32
    %c0_i32_0 = arith.constant 0 : i32
    %c0_i32_1 = arith.constant 0 : i32
    return %c0_i32, %c0_i32_0 : i32, i32
  }
  func.func @transform_16(%arg0: i32, %arg1: i32) -> (i32, i32, i32) {
    %c0_i32 = arith.constant 0 : i32
    %c0_i32_0 = arith.constant 0 : i32
    return %arg0, %c0_i32, %arg1 : i32, i32, i32
  }
}

</mosaic_0001>

<sc_bundles>
// kernel: kernel.11.cloned.1.call-start
scs
__scs_entry_jumppad:
0x0: {  	(pc) =	sbr.rel $0x88, $3  }
0x1: {  	(tag) =	ssettag $0x0;
	lr =	simm.s32 $0x1  }
0x2: {  	[smem:$0x3F8C] =	sst lr;
	_ =	strace $0xD0000000  }
0x3: {  	_ = 	snop  }
0x4: {  	_ = 	snop  }
0x5: {  	_ = 	snop  }
0x6: {  	_ = 	snop  }
0x7: {  	_ = 	snop  }
__scs_overlays_trampoline_lowered:
0x8: {  	[smem:$0x3F9B] =	sst s0  }
0x9: {  	[smem:$0x3F9C] =	sst s1  }
0xa: {  	[smem:$0x3F9D] =	sst s2  }
0xb: {  	[smem:$0x3F9E] =	sst s3  }
0xc: {  	[smem:$0x3F9F] =	sst s4  }
0xd: {  	[smem:$0x3FA0] =	sst s5  }
0xe: {  	[smem:$0x3FA1] =	sst s6  }
0xf: {  	[smem:$0x3FA2] =	sst s7  }
0x10: {  	[smem:$0x3FA3] =	sst s8  }
0x11: {  	[smem:$0x3FA4] =	sst s9;
	s0 =	simm.s32 @!p0 $0x0  }
0x12: {  	s1 =	sld [smem:$0x3F8A];
	s0 =	simm.s32 @p0 $0x1  }
0x13: {  	[smem:$0x3FA5] =	sst s0;
	s0 =	simm.s32 @!p1 $0x0  }
0x14: {  	s2 =	sld [smem:$0x3F89];
	s0 =	simm.s32 @p1 $0x1  }
0x15: {  	[smem:$0x3FA6] =	sst s0;
	s0 =	simm.s32 @!p2 $0x0  }
0x16: {  	s3 =	sld [smem:$0x3FDB];
	s0 =	simm.s32 @p2 $0x1  }
0x17: {  	s4 =	simm.s32 $0x1BF5;
	[smem:$0x3FA8] =	sst s0  }
0x18: {  	s0 =	sld [smem:$0x3F8B];
	_ =	swait.ge [sflag:s4], $0x0  }
0x19: {  	s7 =	sld [smem:$0x3F8C]  }
0x1a: {  	s8 =	sadd.s32 $0xFFFFE003, lr  }
0x1b: {  	s9 =	sadd.s32 $0xFFFFFEF7, lr;
	s5 =	simm.s32 $0xFFFFFFFF;
	p2 =	slt.u32 s8, $0xFFFFF086  }
0x1c: {  	p1 =	slt.u32 s9, $0xF7A;
	s5 =	simm.s32 @!p2 $0x0  }
0x1d: {  	s5 =	simm.s32 @p1 $0x1;
	p0 =	seq.s32 s7, s2  }
0x1e: {  	s7 =	smul.u32 @!p0 $0xF7A, s2;
	p2 =	seq.s32 @!p0 s5, $0x0  }
0x1f: {  	s9 =	smul.u32 $0xF7A, s1;
	s8 =	simm.s32 @!p0 $0x1BF5;
	p2 =	por !p2, p0  }
0x20: {  	[sflag:s8] =	ssyncset.s32 @!p0 $0xFFFFF086;
	s6 =	sadd.s32 @!p0 s3, s7;
	s7 =	simm.s32 @!p0 $0x108  }
0x21: {  	s3 =	sadd.s32 s3, s9;
	s6 =	sadd.s32 @!p0 $0x88, s6;
	s7 =	simm.s32 @p2 $0x1082  }
0x22: {  	[simem:s7], [sflag:s8] =	dma.local @!p0 [hbm:s6], $0xF7A  }
0x23: {  	s9 =	sor.u32 $0xD0000000, s2;
	s6 =	simm.s32 $0x108;
	_ =	swait.ge @!p0 [sflag:s8], $0x0  }
0x24: {  	s3 =	sadd.s32 $0x88, s3;
	s6 =	simm.s32 @!p1 $0x1082;
	[sflag:s4] =	ssyncset.s32 $0xFFFFF086  }
0x25: {  	[simem:s6], [sflag:s4] =	dma.local [hbm:s3], $0xF7A  }
0x26: {  	[smem:$0x3F8C] =	sst s1;
	(tag) =	ssettag s2;
	_ =	strace s9  }
0x27: {  	s1 =	sld [smem:$0x3F9C]  }
0x28: {  	s2 =	sld [smem:$0x3F9D]  }
0x29: {  	s4 =	sld [smem:$0x3F9F]  }
0x2a: {  	p0 =	seq.s32 s5, $0x0;
	s5 =	sld [smem:$0x3FA0]  }
0x2b: {  	s6 =	sld [smem:$0x3FA1]  }
0x2c: {  	s7 =	sld [smem:$0x3FA2]  }
0x2d: {  	s3 =	simm.s32 $0x108;
	s8 =	sld [smem:$0x3FA3]  }
0x2e: {  	s3 =	simm.s32 @!p0 $0x1082;
	s9 =	sld [smem:$0x3FA4]  }
0x2f: {  	lr =	sadd.s32 s0, s3;
	s0 =	sld [smem:$0x3F9B]  }
0x30: {  	s3 =	sld [smem:$0x3F9E]  }
0x31: {  	[smem:$0x3FA7] =	sst s10  }
0x32: {  	s10 =	sld [smem:$0x3FA5];
	_ =	sdelay $0x3  }
0x33: {  	p0 =	seq.s32 s10, $0x1;
	s10 =	sld [smem:$0x3FA7];
	_ =	sdelay $0x3  }
0x34: {  	[smem:$0x3FA7] =	sst s10  }
0x35: {  	s10 =	sld [smem:$0x3FA6];
	_ =	sdelay $0x3  }
0x36: {  	p1 =	seq.s32 s10, $0x1;
	s10 =	sld [smem:$0x3FA7];
	_ =	sdelay $0x3  }
0x37: {  	[smem:$0x3FA7] =	sst s10  }
0x38: {  	s10 =	sld [smem:$0x3FA8]  }
0x39: {  	_ = 	snop;
	(pc) =	sbr.ind lr, $3  }
0x3a: {  	_ = 	snop  }
0x3b: {  	_ = 	snop  }
0x3c: {  	p2 =	seq.s32 s10, $0x1;
	s10 =	sld [smem:$0x3FA7]  }
0x3d: {  	_ =	shalt  }
0x3e: {  	_ =	shalt  }
0x3f: {  	_ =	shalt  }
0x40: {  	_ =	shalt  }
0x41: {  	_ =	shalt  }
0x42: {  	_ =	shalt  }
0x43: {  	_ =	shalt  }
0x44: {  	_ =	shalt  }
0x45: {  	_ =	shalt  }
0x46: {  	_ =	shalt  }
0x47: {  	_ =	shalt  }
0x48: {  	_ =	shalt  }
0x49: {  	_ =	shalt  }
0x4a: {  	_ =	shalt  }
0x4b: {  	_ =	shalt  }
0x4c: {  	_ =	shalt  }
0x4d: {  	_ =	shalt  }
0x4e: {  	_ =	shalt  }
0x4f: {  	_ =	shalt  }
0x50: {  	_ =	shalt  }
0x51: {  	_ =	shalt  }
0x52: {  	_ =	shalt  }
0x53: {  	_ =	shalt  }
0x54: {  	_ =	shalt  }
0x55: {  	_ =	shalt  }
0x56: {  	_ =	shalt  }
0x57: {  	_ =	shalt  }
0x58: {  	_ =	shalt  }
0x59: {  	_ =	shalt  }
0x5a: {  	_ =	shalt  }
0x5b: {  	_ =	shalt  }
0x5c: {  	_ =	shalt  }
0x5d: {  	_ =	shalt  }
0x5e: {  	_ =	shalt  }
0x5f: {  	_ =	shalt  }
0x60: {  	_ =	shalt  }
0x61: {  	_ =	shalt  }
0x62: {  	_ =	shalt  }
0x63: {  	_ =	shalt  }
0x64: {  	_ =	shalt  }
0x65: {  	_ =	shalt  }
0x66: {  	_ =	shalt  }
0x67: {  	_ =	shalt  }
0x68: {  	_ =	shalt  }
0x69: {  	_ =	shalt  }
0x6a: {  	_ =	shalt  }
0x6b: {  	_ =	shalt  }
0x6c: {  	_ =	shalt  }
0x6d: {  	_ =	shalt  }
0x6e: {  	_ =	shalt  }
0x6f: {  	_ =	shalt  }
0x70: {  	_ =	shalt  }
0x71: {  	_ =	shalt  }
0x72: {  	_ =	shalt  }
0x73: {  	_ =	shalt  }
0x74: {  	_ =	shalt  }
0x75: {  	_ =	shalt  }
0x76: {  	_ =	shalt  }
0x77: {  	_ =	shalt  }
0x78: {  	_ =	shalt  }
0x79: {  	_ =	shalt  }
0x7a: {  	_ =	shalt  }
0x7b: {  	_ =	shalt  }
0x7c: {  	_ =	shalt  }
0x7d: {  	_ =	shalt  }
0x7e: {  	_ =	shalt  }
0x7f: {  	_ =	shalt  }
0x80: {  	_ =	shalt  }
0x81: {  	_ =	shalt  }
0x82: {  	_ =	shalt  }
0x83: {  	_ =	shalt  }
0x84: {  	_ =	shalt  }
0x85: {  	_ =	shalt  }
0x86: {  	_ =	shalt  }
0x87: {  	_ =	shalt  }
.Lfunc_end0:
.L_simem_size_0:
called_computation.1_lowered:
.L_overlay_start_0:
0x88: {  	s2 =	sld [smem:$0x3FD9]  }
0x89: {  	s3 =	sld [smem:$0x3FFE];
	_ =	sdelay $0x1  }
0x8a: {  	s1 =	srdreg.scid  }
0x8b: {  	s0 =	sand.u32 $0x1, s1  }
0x8c: {  	s17 =	sshll.u32 s0, $0xA;
	s2 =	sadd.s32 s3, s2  }
0x8d: {  	s2 =	sadd.s32 s2, s17  }
0x8e: {  	[smem:$0x3FB3] =	sst s2  }
0x8f: {  	_ = 	snop  }
0x90: {  	s18 =	sld [smem:$0x3FD0];
	(tm) =	ssettm $0x1  }
0x91: {  	s19 =	sld [smem:$0x3FFB];
	_ =	sdelay $0x3  }
0x92: {  	_ =	strace s19  }
0x93: {  	s2 =	sld [smem:$0x3FFC];
	_ =	sdelay $0x3  }
0x94: {  	_ =	strace s2  }
0x95: {  	s2 =	sld [smem:$0x3FFD];
	_ =	sdelay $0x3  }
0x96: {  	_ =	strace s2  }
0x97: {  	_ =	strace $0x8FFFFFFF  }
0x98: {  	s20 =	sld [smem:$0x3FDB];
	_ =	sdelay $0x1  }
0x99: {  	s4 =	simm.s32 $_scs_section_size  }
0x9a: {  	s5 =	simm.s32 $_size__tile_overlayer_lowered;
	s6 =	simm.s32 $_tile_overlayer_lowered  }
0x9b: {  	s7 =	simm.s32 $0x1BFF;
	s21 =	sshll.u32 s6, $0x1;
	s4 =	sadd.s32 s4, s20  }
0x9c: {  	s22 =	simm.s32 $0x0;
	s5 =	sshll.u32 s5, $0x1;
	s6 =	sadd.s32 s21, s4  }
0x9d: {  	[timem:s22], [sflag:s7] =	dma.local [hbm:s6], s5  }
0x9e: {  	_ =	swait.ge [sflag:s7], s5  }
0x9f: {  	s5 =	ssub.s32 $0x0, s5;
	[sflag:s7] =	ssyncset.done $0x0  }
0xa0: {  	[sflag:s7] =	ssyncadd.s32 s5;
	_ =	sdelay $0x1  }
0xa1: {  	s23 =	simm.s32 $0x1B8B  }
0xa2: {  	_ =	swait.ge [sflag:s23], $0x1  }
0xa3: {  	[sflag:s23] =	ssyncset.done $0x0  }
0xa4: {  	[sflag:s23] =	ssyncadd.s32 $0xFFFFFFFF  }
0xa5: {  	s5 =	sld [smem:$0x0]  }
0xa6: {  	s6 =	sand.u32 $0xFFFFFFFE, s1  }
0xa7: {  	p0 =	sne.s32 s1, s6  }
0xa8: {  	s6 =	sshll.u32 @p0 s6, $0xE  }
0xa9: {  	s6 =	sadd.s32 @p0 $0x11B8D, s6;
	s7 =	sshll.u32 @p0 s5, $0x11  }
0xaa: {  	s6 =	sor.u32 @p0 s7, s6  }
0xab: {  	[sflag:s6] =	ssyncadd.remote.s32 @p0 $0x1;
	_ =	sdelay $0x1  }
0xac: {  	s6 =	simm.s32 @p0 $0x1B8D  }
0xad: {  	_ =	swait.eq @p0 [sflag:s6], $0x1  }
0xae: {  	[sflag:s6] =	ssyncadd.s32 @p0 $0xFFFFFFFF  }
0xaf: {  	s7 =	sshll.u32 @!p0 s1, $0xE  }
0xb0: {  	s7 =	sor.u32 @!p0 $0x4000, s7;
	s6 =	simm.s32 @!p0 $0x1B8D  }
0xb1: {  	s5 =	sshll.u32 @!p0 s5, $0x11;
	s7 =	sadd.s32 @!p0 $0x11B8D, s7;
	_ =	swait.eq @!p0 [sflag:s6], $0x1  }
0xb2: {  	s5 =	sor.u32 @!p0 s5, s7;
	[sflag:s6] =	ssyncadd.s32 @!p0 $0xFFFFFFFF  }
0xb3: {  	s25 =	simm.s32 $0x1B8E;
	s24 =	sld [smem:$0x3FFE];
	[sflag:s5] =	ssyncadd.remote.s32 @!p0 $0x1  }
0xb4: {  	s26 =	simm.s32 $execute0_lowered;
	[smem:$0x3FD2] =	sst s25  }
0xb5: {  	s6 =	sshll.u32 s26, $0x1;
	_ =	strace $0x80000049;
	[dreg:$0x1] =	wrdreg $0xFFFFFFFF  }
0xb6: {  	s28 =	simm.s32 $_size_execute0_lowered;
	s4 =	sadd.s32 s4, s6;
	[dreg:$0x0] =	wrdreg $0x0  }
0xb7: {  	s6 =	sshll.u32 s28, $0x1;
	[dreg:$0x2] =	wrdreg s4  }
0xb8: {  	[dreg:$0x3] =	wrdreg s6  }
0xb9: {  	[dreg:$0x4] =	wrdreg $0xC0  }
0xba: {  	_ =	task [dreg:s22], $0x5FFFF  }
0xbb: {  	[dreg:$0x1] =	wrdreg $0xFFFFFFFF  }
0xbc: {  	[dreg:$0x0] =	wrdreg $0x60  }
0xbd: {  	[dreg:$0x2] =	wrdreg s18  }
0xbe: {  	[dreg:$0x3] =	wrdreg s24  }
0xbf: {  	[dreg:$0x4] =	wrdreg $0xA  }
0xc0: {  	_ =	task.clear_ibuf [dreg:s22], $0x5FFFF;
	_ =	strace $0x90000049  }
0xc1: {  	s29 =	simm.s32 $0xA;
	_ =	strace $0x8000004B  }
0xc2: {  	_ =	swait.ge [sflag:s29], $0x1  }
0xc3: {  	[sflag:s29] =	ssyncadd.s32 $0xFFFFFFFF  }
0xc4: {  	_ =	strace $0x9000004B  }
0xc5: {  	_ =	sfence  }
0xc6: {  	s30 =	sld [smem:$0x0];
	_ =	sdelay $0x2  }
0xc7: {  	s31 =	sshll.u32 s1, $0xD;
	s1 =	sshrl.u32 s1, $0x2  }
0xc8: {  	s4 =	sand.u32 $0x4000, s31;
	s1 =	sadd.s32 s1, s30  }
0xc9: {  	s0 =	sor.u32 s4, s0;
	s1 =	sshll.u32 s1, $0x11  }
0xca: {  	s0 =	sor.u32 s1, s0  }
0xcb: {  	s0 =	sadd.s32 $0x8F2B, s0  }
0xcc: {  	[sflag:s0] =	ssyncadd.remote.s32 $0x1  }
0xcd: {  	_ =	sfence.sel $0xFFFF  }
0xce: {  	[dreg:$0x0] =	wrdreg $0xFFFFFFFF;
	(pc) =	sbr.abs _section_cstart, $3  }
0xcf: {  	[dreg:$0x1] =	wrdreg $0xFFFFFFFF  }
0xd0: {  	_ =	task.clear_ibuf [dreg:s22], $0x2FFFF;
	_ =	strace $0x9FFFFFFF  }
0xd1: {  	(tm) =	ssettm $0x7FFFFFFF  }
tec
execute0_lowered:
.L_overlay_start_1:
0x0: {  	(tag) =	ssettag $0x1  }
0x1: {  	s1 =	srdreg.scid  }
0x2: {  	s0 =	stileid.u32;
	s2 =	rddreg [dreg:$0x0];
	s5 =	sand.u32 $0x1, s1  }
0x3: {  	s4 =	rddreg [dreg:$0x1];
	s11 =	sshll.u32 s0, $0xB;
	s3 =	sshll.u32 s5, $0xA  }
0x4: {  	s12 =	simm.s32 $0x900;
	s6 =	sor.u32 s3, s11;
	s3 =	simm.s32 $0x0  }
0x5: {  	s13 =	simm.s32 $0x1100;
	s14 =	simm.s32 $0x1900;
	[smem:$0x7FF] =	sst s3  }
0x6: {  	s15 =	simm.s32 $0x2100;
	_ =	strace $0x8000004A;
	[dreg:$0x5] =	wrdreg s12  }
0x7: {  	s16 =	simm.s32 $0x2900;
	s18 =	simm.s32 $0x3100;
	[dreg:$0x6] =	wrdreg s13  }
0x8: {  	s19 =	simm.s32 $0x3900;
	s21 =	simm.s32 $0x4100;
	[dreg:$0x7] =	wrdreg s14  }
0x9: {  	s23 =	simm.s32 $0x4900;
	s24 =	simm.s32 $0x5100;
	[dreg:$0x8] =	wrdreg s15  }
0xa: {  	s25 =	simm.s32 $0x5900;
	s26 =	simm.s32 $0x6100;
	[dreg:$0x9] =	wrdreg s16  }
0xb: {  	s30 =	simm.s32 $0x6900;
	s31 =	simm.s32 $0x7100;
	[dreg:$0xa] =	wrdreg s18  }
0xc: {  	s9 =	simm.s32 $0x80;
	s10 =	simm.s32 $0x8100;
	[dreg:$0xb] =	wrdreg s19  }
0xd: {  	s28 =	simm.s32 $0x2;
	s29 =	simm.s32 $0x0;
	[dreg:$0xc] =	wrdreg s21  }
0xe: {  	s8 =	sadd.s32 $0x115200, s4;
	s17 =	sshll.u32 s0, $0x10;
	[dreg:$0xd] =	wrdreg s23  }
0xf: {  	s20 =	ssub.s32 $0x2, s5;
	s5 =	sshll.u32 s5, $0xF;
	[dreg:$0xe] =	wrdreg s24  }
0x10: {  	s22 =	sshrl.u32 s20, $0x1;
	s11 =	simm.s32 $0x8900;
	[dreg:$0xf] =	wrdreg s25  }
0x11: {  	s7 =	sor.u32 $0x80, s6;
	s6 =	sshrl.u32 s6, $0x3;
	[dreg:$0x10] =	wrdreg s26  }
0x12: {  	s7 =	sshrl.u32 s7, $0x3;
	s6 =	sadd.s32 s6, s8;
	[dreg:$0x11] =	wrdreg s30  }
0x13: {  	[dreg:$0x12] =	wrdreg s31;
	s12 =	simm.s32 $0x9100;
	s13 =	simm.s32 $0x9900  }
0x14: {  	s14 =	simm.s32 $0xA100;
	s15 =	simm.s32 $0xA900;
	s16 =	simm.s32 $0xB100  }
0x15: {  	s18 =	simm.s32 $0xC100;
	s19 =	simm.s32 $0xC900;
	s21 =	simm.s32 $0xD900  }
0x16: {  	s23 =	simm.s32 $0xE900;
	s24 =	simm.s32 $0xF100;
	s25 =	simm.s32 $0xF900  }
0x17: {  	s26 =	simm.s32 $0x1;
	s7 =	sadd.s32 s7, s8;
	[dreg:$0x4] =	wrdreg s6  }
0x18: {  	s6 =	ssub.s32 s20, s22;
	s8 =	simm.s32 $0x7900;
	s20 =	simm.s32 $0xD100  }
0x19: {  	v2 =	vlaneseq.u32;
	s22 =	simm.s32 $0xE100;
	[dreg:$0x3] =	wrdreg s7;
	s7 =	sadd.s32 s17, s4  }
0x1a: {  	vm0 =	vmmov $0xffff;
	v1 =	vshrl.u32 v2, $0x3;
	s4 =	smax.u32 s6, $0x1;
	s6 =	simm.s32 $0x3;
	s5 =	sadd.s32 s5, s7  }
0x1b: {  	v0 =	vand.u32 $0x7, v2;
	v2 =	vor.u32 $0x8, v2;
	v1 =	vmul.u32 $0x8, v1;
	s17 =	simm.s32 $0xB900;
	s7 =	simm.s32 $0x100;
	s5 =	sadd.s32 $0x117200, s5  }
.LBB2_1:
0x1c: {  	s30 =	smov.u32 s5;
	s31 =	simm.s32 $0x0  }
.LBB2_2:
0x1d: {  	s1 =	rddreg [dreg:$0x4]  }
0x1e: {  	s1 =	sadd.s32 s31, s1  }
0x1f: {  	[tilespmem:s3], [sflag:$0x3] =	stream.linear.gather [hbm4b:s1+s3], $0x80, $0x38;
	[tilespmem:$0x10100] =	vst v63  }
0x20: {  	_ =	swait.ge [sflag:s6], $0x80  }
0x21: {  	[sflag:s6] =	ssyncset.done $0x0  }
0x22: {  	[sflag:s6] =	ssyncadd.s32 $0xFFFFFF80  }
0x23: {  	v3 =	vld [tilespmem:$0x0];
	_ =	sdelay $0x4  }
0x24: {  	v4 =	vshll.u32 v3, $0x1  }
0x25: {  	v3 =	vand.u32 $0x7, v3;
	v4 =	vand.u32 $0xFFFFFFF0, v4  }
0x26: {  	v3 =	vor.u32 v3, v4  }
0x27: {  	v4 =	vperm.xlane v3, v0;
	_ =	sdelay $0x1  }
0x28: {  	v3 =	vperm.xlane v3, v2;
	v4 =	vadd.s32 v1, v4;
	_ =	sdelay $0x1  }
0x29: {  	v3 =	vadd.s32 v1, v3;
	_ =	sdelay $0x2  }
0x2a: {  	[tilespmem:s7], [sflag:$0x1] =	stream.indirect_vreg.gather [hbm4b:s2+s3], $0x80, v4, vm0, $0xb8;
	[tilespmem:$0x10100] =	vst v63  }
0x2b: {  	s0 =	rddreg [dreg:$0x5]  }
0x2c: {  	[tilespmem:s0], [sflag:$0x1] =	stream.indirect_vreg.gather [hbm4b:s2+s3], $0x80, v3, vm0, $0xb8;
	[tilespmem:$0x10100] =	vst v63  }
0x2d: {  	v3 =	vld [tilespmem:$0x10];
	_ =	sdelay $0x4  }
0x2e: {  	v49 =	vshll.u32 v3, $0x1  }
0x2f: {  	v3 =	vand.u32 $0x7, v3;
	v4 =	vand.u32 $0xFFFFFFF0, v49  }
0x30: {  	v3 =	vor.u32 v3, v4  }
0x31: {  	v4 =	vperm.xlane v3, v0;
	_ =	sdelay $0x1  }
0x32: {  	v3 =	vperm.xlane v3, v2;
	v4 =	vadd.s32 v1, v4;
	_ =	sdelay $0x1  }
0x33: {  	v3 =	vadd.s32 v1, v3;
	_ =	sdelay $0x1  }
0x34: {  	s1 =	rddreg [dreg:$0x6]  }
0x35: {  	[tilespmem:s1], [sflag:$0x1] =	stream.indirect_vreg.gather [hbm4b:s2+s3], $0x80, v4, vm0, $0xb8;
	[tilespmem:$0x10100] =	vst v63  }
0x36: {  	s0 =	rddreg [dreg:$0x7]  }
0x37: {  	[tilespmem:s0], [sflag:$0x1] =	stream.indirect_vreg.gather [hbm4b:s2+s3], $0x80, v3, vm0, $0xb8;
	[tilespmem:$0x10100] =	vst v63  }
0x38: {  	v3 =	vld [tilespmem:$0x20];
	_ =	sdelay $0x4  }
0x39: {  	v50 =	vshll.u32 v3, $0x1  }
0x3a: {  	v3 =	vand.u32 $0x7, v3;
	v4 =	vand.u32 $0xFFFFFFF0, v50  }
0x3b: {  	v3 =	vor.u32 v3, v4  }
0x3c: {  	v4 =	vperm.xlane v3, v0;
	_ =	sdelay $0x1  }
0x3d: {  	v3 =	vperm.xlane v3, v2;
	v4 =	vadd.s32 v1, v4;
	_ =	sdelay $0x1  }
0x3e: {  	v3 =	vadd.s32 v1, v3;
	_ =	sdelay $0x1  }
0x3f: {  	s0 =	rddreg [dreg:$0x8]  }
0x40: {  	[tilespmem:s0], [sflag:$0x1] =	stream.indirect_vreg.gather [hbm4b:s2+s3], $0x80, v4, vm0, $0xb8;
	[tilespmem:$0x10100] =	vst v63  }
0x41: {  	s1 =	rddreg [dreg:$0x9]  }
0x42: {  	[tilespmem:s1], [sflag:$0x1] =	stream.indirect_vreg.gather [hbm4b:s2+s3], $0x80, v3, vm0, $0xb8;
	[tilespmem:$0x10100] =	vst v63  }
0x43: {  	v3 =	vld [tilespmem:$0x30];
	_ =	sdelay $0x4  }
0x44: {  	v51 =	vshll.u32 v3, $0x1  }
0x45: {  	v3 =	vand.u32 $0x7, v3;
	v4 =	vand.u32 $0xFFFFFFF0, v51  }
0x46: {  	v3 =	vor.u32 v3, v4  }
0x47: {  	v4 =	vperm.xlane v3, v0;
	_ =	sdelay $0x1  }
0x48: {  	v3 =	vperm.xlane v3, v2;
	v4 =	vadd.s32 v1, v4;
	_ =	sdelay $0x1  }
0x49: {  	v3 =	vadd.s32 v1, v3;
	_ =	sdelay $0x1  }
0x4a: {  	s0 =	rddreg [dreg:$0xa]  }
0x4b: {  	[tilespmem:s0], [sflag:$0x1] =	stream.indirect_vreg.gather [hbm4b:s2+s3], $0x80, v4, vm0, $0xb8;
	[tilespmem:$0x10100] =	vst v63  }
0x4c: {  	s1 =	rddreg [dreg:$0xb]  }
0x4d: {  	[tilespmem:s1], [sflag:$0x1] =	stream.indirect_vreg.gather [hbm4b:s2+s3], $0x80, v3, vm0, $0xb8;
	[tilespmem:$0x10100] =	vst v63  }
0x4e: {  	v3 =	vld [tilespmem:$0x40];
	_ =	sdelay $0x4  }
0x4f: {  	v52 =	vshll.u32 v3, $0x1  }
0x50: {  	v3 =	vand.u32 $0x7, v3;
	v4 =	vand.u32 $0xFFFFFFF0, v52  }
0x51: {  	v3 =	vor.u32 v3, v4  }
0x52: {  	v4 =	vperm.xlane v3, v0;
	_ =	sdelay $0x1  }
0x53: {  	v3 =	vperm.xlane v3, v2;
	v4 =	vadd.s32 v1, v4;
	_ =	sdelay $0x1  }
0x54: {  	v3 =	vadd.s32 v1, v3;
	_ =	sdelay $0x1  }
0x55: {  	s0 =	rddreg [dreg:$0xc]  }
0x56: {  	[tilespmem:s0], [sflag:$0x1] =	stream.indirect_vreg.gather [hbm4b:s2+s3], $0x80, v4, vm0, $0xb8;
	[tilespmem:$0x10100] =	vst v63  }
0x57: {  	s1 =	rddreg [dreg:$0xd]  }
0x58: {  	[tilespmem:s1], [sflag:$0x1] =	stream.indirect_vreg.gather [hbm4b:s2+s3], $0x80, v3, vm0, $0xb8;
	[tilespmem:$0x10100] =	vst v63  }
0x59: {  	v3 =	vld [tilespmem:$0x50];
	_ =	sdelay $0x4  }
0x5a: {  	v53 =	vshll.u32 v3, $0x1  }
0x5b: {  	v3 =	vand.u32 $0x7, v3;
	v4 =	vand.u32 $0xFFFFFFF0, v53  }
0x5c: {  	v3 =	vor.u32 v3, v4  }
0x5d: {  	v4 =	vperm.xlane v3, v0;
	_ =	sdelay $0x1  }
0x5e: {  	v3 =	vperm.xlane v3, v2;
	v4 =	vadd.s32 v1, v4;
	_ =	sdelay $0x1  }
0x5f: {  	v3 =	vadd.s32 v1, v3;
	_ =	sdelay $0x1  }
0x60: {  	s0 =	rddreg [dreg:$0xe]  }
0x61: {  	[tilespmem:s0], [sflag:$0x1] =	stream.indirect_vreg.gather [hbm4b:s2+s3], $0x80, v4, vm0, $0xb8;
	[tilespmem:$0x10100] =	vst v63  }
0x62: {  	s1 =	rddreg [dreg:$0xf]  }
0x63: {  	[tilespmem:s1], [sflag:$0x1] =	stream.indirect_vreg.gather [hbm4b:s2+s3], $0x80, v3, vm0, $0xb8;
	[tilespmem:$0x10100] =	vst v63  }
0x64: {  	v3 =	vld [tilespmem:$0x60];
	_ =	sdelay $0x4  }
0x65: {  	v54 =	vshll.u32 v3, $0x1  }
0x66: {  	v3 =	vand.u32 $0x7, v3;
	v4 =	vand.u32 $0xFFFFFFF0, v54  }
0x67: {  	v3 =	vor.u32 v3, v4  }
0x68: {  	v4 =	vperm.xlane v3, v0;
	_ =	sdelay $0x1  }
0x69: {  	v3 =	vperm.xlane v3, v2;
	v4 =	vadd.s32 v1, v4;
	_ =	sdelay $0x1  }
0x6a: {  	v3 =	vadd.s32 v1, v3;
	_ =	sdelay $0x1  }
0x6b: {  	s0 =	rddreg [dreg:$0x10]  }
0x6c: {  	[tilespmem:s0], [sflag:$0x1] =	stream.indirect_vreg.gather [hbm4b:s2+s3], $0x80, v4, vm0, $0xb8;
	[tilespmem:$0x10100] =	vst v63  }
0x6d: {  	s1 =	rddreg [dreg:$0x11]  }
0x6e: {  	[tilespmem:s1], [sflag:$0x1] =	stream.indirect_vreg.gather [hbm4b:s2+s3], $0x80, v3, vm0, $0xb8;
	[tilespmem:$0x10100] =	vst v63  }
0x6f: {  	v3 =	vld [tilespmem:$0x70];
	_ =	sdelay $0x4  }
0x70: {  	v55 =	vshll.u32 v3, $0x1  }
0x71: {  	v3 =	vand.u32 $0x7, v3;
	v4 =	vand.u32 $0xFFFFFFF0, v55  }
0x72: {  	v3 =	vor.u32 v3, v4  }
0x73: {  	v4 =	vperm.xlane v3, v0;
	_ =	sdelay $0x1  }
0x74: {  	v3 =	vperm.xlane v3, v2;
	v4 =	vadd.s32 v1, v4;
	_ =	sdelay $0x1  }
0x75: {  	v3 =	vadd.s32 v1, v3;
	_ =	sdelay $0x1  }
0x76: {  	s1 =	rddreg [dreg:$0x12]  }
0x77: {  	[tilespmem:s1], [sflag:$0x1] =	stream.indirect_vreg.gather [hbm4b:s2+s3], $0x80, v4, vm0, $0xb8;
	[tilespmem:$0x10100] =	vst v63  }
0x78: {  	s1 =	rddreg [dreg:$0x3]  }
0x79: {  	[tilespmem:s8], [sflag:$0x1] =	stream.indirect_vreg.gather [hbm4b:s2+s3], $0x80, v3, vm0, $0xb8;
	[tilespmem:$0x10100] =	vst v63  }
0x7a: {  	s0 =	sadd.s32 s31, s1  }
0x7b: {  	[tilespmem:s9], [sflag:$0x3] =	stream.linear.gather [hbm4b:s0+s3], $0x80, $0x38;
	[tilespmem:$0x10100] =	vst v63  }
0x7c: {  	_ =	swait.ge [sflag:s6], $0x80  }
0x7d: {  	[sflag:s6] =	ssyncset.done $0x0  }
0x7e: {  	[sflag:s6] =	ssyncadd.s32 $0xFFFFFF80  }
0x7f: {  	v3 =	vld [tilespmem:$0x80];
	_ =	sdelay $0x4  }
0x80: {  	v56 =	vshll.u32 v3, $0x1  }
0x81: {  	v3 =	vand.u32 $0x7, v3;
	v4 =	vand.u32 $0xFFFFFFF0, v56  }
0x82: {  	v3 =	vor.u32 v3, v4  }
0x83: {  	v4 =	vperm.xlane v3, v0;
	_ =	sdelay $0x1  }
0x84: {  	v3 =	vperm.xlane v3, v2;
	v4 =	vadd.s32 v1, v4;
	_ =	sdelay $0x1  }
0x85: {  	v3 =	vadd.s32 v1, v3;
	_ =	sdelay $0x2  }
0x86: {  	[tilespmem:s10], [sflag:$0x2] =	stream.indirect_vreg.gather [hbm4b:s2+s3], $0x80, v4, vm0, $0xb8;
	[tilespmem:$0x10100] =	vst v63  }
0x87: {  	_ = 	snop  }
0x88: {  	[tilespmem:s11], [sflag:$0x2] =	stream.indirect_vreg.gather [hbm4b:s2+s3], $0x80, v3, vm0, $0xb8;
	[tilespmem:$0x10100] =	vst v63  }
0x89: {  	v3 =	vld [tilespmem:$0x90];
	_ =	sdelay $0x4  }
0x8a: {  	v57 =	vshll.u32 v3, $0x1  }
0x8b: {  	v3 =	vand.u32 $0x7, v3;
	v4 =	vand.u32 $0xFFFFFFF0, v57  }
0x8c: {  	v3 =	vor.u32 v3, v4  }
0x8d: {  	v4 =	vperm.xlane v3, v0;
	_ =	sdelay $0x1  }
0x8e: {  	v3 =	vperm.xlane v3, v2;
	v4 =	vadd.s32 v1, v4;
	_ =	sdelay $0x1  }
0x8f: {  	v3 =	vadd.s32 v1, v3;
	_ =	sdelay $0x2  }
0x90: {  	[tilespmem:s12], [sflag:$0x2] =	stream.indirect_vreg.gather [hbm4b:s2+s3], $0x80, v4, vm0, $0xb8;
	[tilespmem:$0x10100] =	vst v63  }
0x91: {  	_ = 	snop  }
0x92: {  	[tilespmem:s13], [sflag:$0x2] =	stream.indirect_vreg.gather [hbm4b:s2+s3], $0x80, v3, vm0, $0xb8;
	[tilespmem:$0x10100] =	vst v63  }
0x93: {  	v3 =	vld [tilespmem:$0xA0];
	_ =	sdelay $0x4  }
0x94: {  	v58 =	vshll.u32 v3, $0x1  }
0x95: {  	v3 =	vand.u32 $0x7, v3;
	v4 =	vand.u32 $0xFFFFFFF0, v58  }
0x96: {  	v3 =	vor.u32 v3, v4  }
0x97: {  	v4 =	vperm.xlane v3, v0;
	_ =	sdelay $0x1  }
0x98: {  	v3 =	vperm.xlane v3, v2;
	v4 =	vadd.s32 v1, v4;
	_ =	sdelay $0x1  }
0x99: {  	v3 =	vadd.s32 v1, v3;
	_ =	sdelay $0x2  }
0x9a: {  	[tilespmem:s14], [sflag:$0x2] =	stream.indirect_vreg.gather [hbm4b:s2+s3], $0x80, v4, vm0, $0xb8;
	[tilespmem:$0x10100] =	vst v63  }
0x9b: {  	_ = 	snop  }
0x9c: {  	[tilespmem:s15], [sflag:$0x2] =	stream.indirect_vreg.gather [hbm4b:s2+s3], $0x80, v3, vm0, $0xb8;
	[tilespmem:$0x10100] =	vst v63  }
0x9d: {  	v3 =	vld [tilespmem:$0xB0];
	_ =	sdelay $0x4  }
0x9e: {  	v59 =	vshll.u32 v3, $0x1  }
0x9f: {  	v3 =	vand.u32 $0x7, v3;
	v4 =	vand.u32 $0xFFFFFFF0, v59  }
0xa0: {  	v3 =	vor.u32 v3, v4  }
0xa1: {  	v4 =	vperm.xlane v3, v0;
	_ =	sdelay $0x1  }
0xa2: {  	v3 =	vperm.xlane v3, v2;
	v4 =	vadd.s32 v1, v4;
	_ =	sdelay $0x1  }
0xa3: {  	v3 =	vadd.s32 v1, v3;
	_ =	sdelay $0x2  }
0xa4: {  	[tilespmem:s16], [sflag:$0x2] =	stream.indirect_vreg.gather [hbm4b:s2+s3], $0x80, v4, vm0, $0xb8;
	[tilespmem:$0x10100] =	vst v63  }
0xa5: {  	_ = 	snop  }
0xa6: {  	[tilespmem:s17], [sflag:$0x2] =	stream.indirect_vreg.gather [hbm4b:s2+s3], $0x80, v3, vm0, $0xb8;
	[tilespmem:$0x10100] =	vst v63  }
0xa7: {  	v3 =	vld [tilespmem:$0xC0];
	_ =	sdelay $0x4  }
0xa8: {  	v60 =	vshll.u32 v3, $0x1  }
0xa9: {  	v3 =	vand.u32 $0x7, v3;
	v4 =	vand.u32 $0xFFFFFFF0, v60  }
0xaa: {  	v3 =	vor.u32 v3, v4  }
0xab: {  	v4 =	vperm.xlane v3, v0;
	_ =	sdelay $0x1  }
0xac: {  	v3 =	vperm.xlane v3, v2;
	v4 =	vadd.s32 v1, v4;
	_ =	sdelay $0x1  }
0xad: {  	v3 =	vadd.s32 v1, v3;
	_ =	sdelay $0x2  }
0xae: {  	[tilespmem:s18], [sflag:$0x2] =	stream.indirect_vreg.gather [hbm4b:s2+s3], $0x80, v4, vm0, $0xb8;
	[tilespmem:$0x10100] =	vst v63  }
0xaf: {  	_ = 	snop  }
0xb0: {  	[tilespmem:s19], [sflag:$0x2] =	stream.indirect_vreg.gather [hbm4b:s2+s3], $0x80, v3, vm0, $0xb8;
	[tilespmem:$0x10100] =	vst v63  }
0xb1: {  	v3 =	vld [tilespmem:$0xD0];
	_ =	sdelay $0x4  }
0xb2: {  	v61 =	vshll.u32 v3, $0x1  }
0xb3: {  	v3 =	vand.u32 $0x7, v3;
	v4 =	vand.u32 $0xFFFFFFF0, v61  }
0xb4: {  	v3 =	vor.u32 v3, v4  }
0xb5: {  	v4 =	vperm.xlane v3, v0;
	_ =	sdelay $0x1  }
0xb6: {  	v3 =	vperm.xlane v3, v2;
	v4 =	vadd.s32 v1, v4;
	_ =	sdelay $0x1  }
0xb7: {  	v3 =	vadd.s32 v1, v3;
	_ =	sdelay $0x2  }
0xb8: {  	[tilespmem:s20], [sflag:$0x2] =	stream.indirect_vreg.gather [hbm4b:s2+s3], $0x80, v4, vm0, $0xb8;
	[tilespmem:$0x10100] =	vst v63  }
0xb9: {  	_ = 	snop  }
0xba: {  	[tilespmem:s21], [sflag:$0x2] =	stream.indirect_vreg.gather [hbm4b:s2+s3], $0x80, v3, vm0, $0xb8;
	[tilespmem:$0x10100] =	vst v63  }
0xbb: {  	v3 =	vld [tilespmem:$0xE0];
	_ =	sdelay $0x4  }
0xbc: {  	v62 =	vshll.u32 v3, $0x1  }
0xbd: {  	v3 =	vand.u32 $0x7, v3;
	v4 =	vand.u32 $0xFFFFFFF0, v62  }
0xbe: {  	v3 =	vor.u32 v3, v4  }
0xbf: {  	v4 =	vperm.xlane v3, v0;
	_ =	sdelay $0x1  }
0xc0: {  	v3 =	vperm.xlane v3, v2;
	v4 =	vadd.s32 v1, v4;
	_ =	sdelay $0x1  }
0xc1: {  	v3 =	vadd.s32 v1, v3;
	_ =	sdelay $0x2  }
0xc2: {  	[tilespmem:s22], [sflag:$0x2] =	stream.indirect_vreg.gather [hbm4b:s2+s3], $0x80, v4, vm0, $0xb8;
	[tilespmem:$0x10100] =	vst v63  }
0xc3: {  	_ = 	snop  }
0xc4: {  	[tilespmem:s23], [sflag:$0x2] =	stream.indirect_vreg.gather [hbm4b:s2+s3], $0x80, v3, vm0, $0xb8;
	[tilespmem:$0x10100] =	vst v63  }
0xc5: {  	v3 =	vld [tilespmem:$0xF0];
	_ =	sdelay $0x4  }
0xc6: {  	v63 =	vshll.u32 v3, $0x1  }
0xc7: {  	v3 =	vand.u32 $0x7, v3;
	v4 =	vand.u32 $0xFFFFFFF0, v63  }
0xc8: {  	v3 =	vor.u32 v3, v4  }
0xc9: {  	v4 =	vperm.xlane v3, v0;
	_ =	sdelay $0x1  }
0xca: {  	v3 =	vperm.xlane v3, v2;
	v4 =	vadd.s32 v1, v4;
	_ =	sdelay $0x1  }
0xcb: {  	v3 =	vadd.s32 v1, v3;
	_ =	sdelay $0x2  }
0xcc: {  	[tilespmem:s24], [sflag:$0x2] =	stream.indirect_vreg.gather [hbm4b:s2+s3], $0x80, v4, vm0, $0xb8;
	[tilespmem:$0x10100] =	vst v63  }
0xcd: {  	_ = 	snop  }
0xce: {  	[tilespmem:s25], [sflag:$0x2] =	stream.indirect_vreg.gather [hbm4b:s2+s3], $0x80, v3, vm0, $0xb8;
	[tilespmem:$0x10100] =	vst v63  }
0xcf: {  	_ =	swait.ge [sflag:s26], $0x8000  }
0xd0: {  	[sflag:s26] =	ssyncset.done $0x0  }
0xd1: {  	s1 =	sadd.s32 $0xFFFFF000, s30;
	[sflag:s26] =	ssyncadd.s32 $0xFFFF8000  }
0xd2: {  	[hbm4b:s1+s3] =	stream.linear.scatter [tilespmem:s7], [sflag:$0x3], $0x8000, $0x38;
	[tilespmem:$0x10100] =	vst v63  }
0xd3: {  	_ =	swait.ge [sflag:s6], $0x8000  }
0xd4: {  	[sflag:s6] =	ssyncset.done $0x0  }
0xd5: {  	[sflag:s6] =	ssyncadd.s32 $0xFFFF8000  }
0xd6: {  	_ =	swait.ge [sflag:s28], $0x8000  }
0xd7: {  	p0 =	sne.s32 s31, $0x60;
	[sflag:s28] =	ssyncset.done $0x0  }
.Ltmp0:
0xd8: {  	[sflag:s28] =	ssyncadd.s32 $0xFFFF8000;
	(pc) =	sbr.rel @p0 .LBB2_2-.Ltmp0, $4  }
0xd9: {  	[hbm4b:s30+s3] =	stream.linear.scatter [tilespmem:s10], [sflag:$0x3], $0x8000, $0x38;
	[tilespmem:$0x10100] =	vst v63  }
0xda: {  	_ =	swait.ge [sflag:s6], $0x8000  }
0xdb: {  	[sflag:s6] =	ssyncset.done $0x0  }
0xdc: {  	s31 =	sadd.s32 $0x20, s31;
	s30 =	sadd.s32 $0x2000, s30;
	[sflag:s6] =	ssyncadd.s32 $0xFFFF8000  }
0xdd: {  	s29 =	sadd.s32 $0x1, s29  }
0xde: {  	p0 =	sne.s32 s29, s4  }
.Ltmp1:
0xdf: {  	_ = 	snop;
	(pc) =	sbr.rel @p0 .LBB2_1-.Ltmp1, $1  }
0xe0: {  	_ =	sdelay $0x3  }
0xe1: {  	_ =	sfence.sel $0x180000  }
0xe2: {  	[bflag:$0x0] =	sbarrier.arrive $0xFFFF  }
0xe3: {  	_ =	strace $0x9000004A  }
0xe4: {  	s0 =	stileid.u32;
	[bflag:$0x2] =	sbarrier.arrive $0xFFFF  }
0xe5: {  	p0 =	sne.s32 s0, $0x0;
	s0 =	rddreg [dreg:$0x2]  }
0xe6: {  	s0 =	sadd.s32 @!p0 $0x100000, s0  }
0xe7: {  	[sflag:s0] =	ssyncadd.tile.s32 @!p0 $0x1;
	_ =	shalt  }
.Lfunc_end2:
_tile_overlayer_lowered:
.L_overlay_start_2:
0xe8: {  	(tag) =	ssettag $0x2  }
0xe9: {  	s0 =	rddreg [dreg:$0x0];
	s2 =	stileid.u32  }
0xea: {  	s1 =	rddreg [dreg:$0x1];
	p0 =	sne.s32 s2, $0x0  }
0xeb: {  	s3 =	rddreg [dreg:$0x2];
	[bflag:$0x3] =	sbarrier.arrive $0xFFFF;
	s2 =	simm.s32 @!p0 $0x1C03  }
0xec: {  	[timem:s3], [sflag:s2] =	dma.local @!p0 [hbm:s0], s1  }
0xed: {  	s0 =	simm.s32 @!p0 $0x3  }
0xee: {  	_ =	swait.ge @!p0 [sflag:s0], s1  }
0xef: {  	s1 =	ssub.s32 @!p0 $0x0, s1;
	[sflag:s0] =	ssyncset.done @!p0 $0x0  }
0xf0: {  	[sflag:s0] =	ssyncadd.s32 @!p0 s1  }
0xf1: {  	[bflag:$0x3] =	sbarrier.arrive $0xFFFF  }
0xf2: {  	_ =	shalt  }

// kernel: kernel.8.cloned.1.call-start
scs
__scs_entry_jumppad:
0x0: {  	(pc) =	sbr.rel $0x88, $3  }
0x1: {  	(tag) =	ssettag $0x0;
	lr =	simm.s32 $0x1  }
0x2: {  	[smem:$0x3F8C] =	sst lr;
	_ =	strace $0xD0000000  }
0x3: {  	_ = 	snop  }
0x4: {  	_ = 	snop  }
0x5: {  	_ = 	snop  }
0x6: {  	_ = 	snop  }
0x7: {  	_ = 	snop  }
__scs_overlays_trampoline_lowered:
0x8: {  	[smem:$0x3F9B] =	sst s0  }
0x9: {  	[smem:$0x3F9C] =	sst s1  }
0xa: {  	[smem:$0x3F9D] =	sst s2  }
0xb: {  	[smem:$0x3F9E] =	sst s3  }
0xc: {  	[smem:$0x3F9F] =	sst s4  }
0xd: {  	[smem:$0x3FA0] =	sst s5  }
0xe: {  	[smem:$0x3FA1] =	sst s6  }
0xf: {  	[smem:$0x3FA2] =	sst s7  }
0x10: {  	[smem:$0x3FA3] =	sst s8  }
0x11: {  	[smem:$0x3FA4] =	sst s9;
	s0 =	simm.s32 @!p0 $0x0  }
0x12: {  	s1 =	sld [smem:$0x3F8A];
	s0 =	simm.s32 @p0 $0x1  }
0x13: {  	[smem:$0x3FA5] =	sst s0;
	s0 =	simm.s32 @!p1 $0x0  }
0x14: {  	s2 =	sld [smem:$0x3F89];
	s0 =	simm.s32 @p1 $0x1  }
0x15: {  	[smem:$0x3FA6] =	sst s0;
	s0 =	simm.s32 @!p2 $0x0  }
0x16: {  	s3 =	sld [smem:$0x3FDB];
	s0 =	simm.s32 @p2 $0x1  }
0x17: {  	s4 =	simm.s32 $0x1BF5;
	[smem:$0x3FA8] =	sst s0  }
0x18: {  	s0 =	sld [smem:$0x3F8B];
	_ =	swait.ge [sflag:s4], $0x0  }
0x19: {  	s7 =	sld [smem:$0x3F8C]  }
0x1a: {  	s8 =	sadd.s32 $0xFFFFE003, lr  }
0x1b: {  	s9 =	sadd.s32 $0xFFFFFEF7, lr;
	s5 =	simm.s32 $0xFFFFFFFF;
	p2 =	slt.u32 s8, $0xFFFFF086  }
0x1c: {  	p1 =	slt.u32 s9, $0xF7A;
	s5 =	simm.s32 @!p2 $0x0  }
0x1d: {  	s5 =	simm.s32 @p1 $0x1;
	p0 =	seq.s32 s7, s2  }
0x1e: {  	s7 =	smul.u32 @!p0 $0xF7A, s2;
	p2 =	seq.s32 @!p0 s5, $0x0  }
0x1f: {  	s9 =	smul.u32 $0xF7A, s1;
	s8 =	simm.s32 @!p0 $0x1BF5;
	p2 =	por !p2, p0  }
0x20: {  	[sflag:s8] =	ssyncset.s32 @!p0 $0xFFFFF086;
	s6 =	sadd.s32 @!p0 s3, s7;
	s7 =	simm.s32 @!p0 $0x108  }
0x21: {  	s3 =	sadd.s32 s3, s9;
	s6 =	sadd.s32 @!p0 $0x88, s6;
	s7 =	simm.s32 @p2 $0x1082  }
0x22: {  	[simem:s7], [sflag:s8] =	dma.local @!p0 [hbm:s6], $0xF7A  }
0x23: {  	s9 =	sor.u32 $0xD0000000, s2;
	s6 =	simm.s32 $0x108;
	_ =	swait.ge @!p0 [sflag:s8], $0x0  }
0x24: {  	s3 =	sadd.s32 $0x88, s3;
	s6 =	simm.s32 @!p1 $0x1082;
	[sflag:s4] =	ssyncset.s32 $0xFFFFF086  }
0x25: {  	[simem:s6], [sflag:s4] =	dma.local [hbm:s3], $0xF7A  }
0x26: {  	[smem:$0x3F8C] =	sst s1;
	(tag) =	ssettag s2;
	_ =	strace s9  }
0x27: {  	s1 =	sld [smem:$0x3F9C]  }
0x28: {  	s2 =	sld [smem:$0x3F9D]  }
0x29: {  	s4 =	sld [smem:$0x3F9F]  }
0x2a: {  	p0 =	seq.s32 s5, $0x0;
	s5 =	sld [smem:$0x3FA0]  }
0x2b: {  	s6 =	sld [smem:$0x3FA1]  }
0x2c: {  	s7 =	sld [smem:$0x3FA2]  }
0x2d: {  	s3 =	simm.s32 $0x108;
	s8 =	sld [smem:$0x3FA3]  }
0x2e: {  	s3 =	simm.s32 @!p0 $0x1082;
	s9 =	sld [smem:$0x3FA4]  }
0x2f: {  	lr =	sadd.s32 s0, s3;
	s0 =	sld [smem:$0x3F9B]  }
0x30: {  	s3 =	sld [smem:$0x3F9E]  }
0x31: {  	[smem:$0x3FA7] =	sst s10  }
0x32: {  	s10 =	sld [smem:$0x3FA5];
	_ =	sdelay $0x3  }
0x33: {  	p0 =	seq.s32 s10, $0x1;
	s10 =	sld [smem:$0x3FA7];
	_ =	sdelay $0x3  }
0x34: {  	[smem:$0x3FA7] =	sst s10  }
0x35: {  	s10 =	sld [smem:$0x3FA6];
	_ =	sdelay $0x3  }
0x36: {  	p1 =	seq.s32 s10, $0x1;
	s10 =	sld [smem:$0x3FA7];
	_ =	sdelay $0x3  }
0x37: {  	[smem:$0x3FA7] =	sst s10  }
0x38: {  	s10 =	sld [smem:$0x3FA8]  }
0x39: {  	_ = 	snop;
	(pc) =	sbr.ind lr, $3  }
0x3a: {  	_ = 	snop  }
0x3b: {  	_ = 	snop  }
0x3c: {  	p2 =	seq.s32 s10, $0x1;
	s10 =	sld [smem:$0x3FA7]  }
0x3d: {  	_ =	shalt  }
0x3e: {  	_ =	shalt  }
0x3f: {  	_ =	shalt  }
0x40: {  	_ =	shalt  }
0x41: {  	_ =	shalt  }
0x42: {  	_ =	shalt  }
0x43: {  	_ =	shalt  }
0x44: {  	_ =	shalt  }
0x45: {  	_ =	shalt  }
0x46: {  	_ =	shalt  }
0x47: {  	_ =	shalt  }
0x48: {  	_ =	shalt  }
0x49: {  	_ =	shalt  }
0x4a: {  	_ =	shalt  }
0x4b: {  	_ =	shalt  }
0x4c: {  	_ =	shalt  }
0x4d: {  	_ =	shalt  }
0x4e: {  	_ =	shalt  }
0x4f: {  	_ =	shalt  }
0x50: {  	_ =	shalt  }
0x51: {  	_ =	shalt  }
0x52: {  	_ =	shalt  }
0x53: {  	_ =	shalt  }
0x54: {  	_ =	shalt  }
0x55: {  	_ =	shalt  }
0x56: {  	_ =	shalt  }
0x57: {  	_ =	shalt  }
0x58: {  	_ =	shalt  }
0x59: {  	_ =	shalt  }
0x5a: {  	_ =	shalt  }
0x5b: {  	_ =	shalt  }
0x5c: {  	_ =	shalt  }
0x5d: {  	_ =	shalt  }
0x5e: {  	_ =	shalt  }
0x5f: {  	_ =	shalt  }
0x60: {  	_ =	shalt  }
0x61: {  	_ =	shalt  }
0x62: {  	_ =	shalt  }
0x63: {  	_ =	shalt  }
0x64: {  	_ =	shalt  }
0x65: {  	_ =	shalt  }
0x66: {  	_ =	shalt  }
0x67: {  	_ =	shalt  }
0x68: {  	_ =	shalt  }
0x69: {  	_ =	shalt  }
0x6a: {  	_ =	shalt  }
0x6b: {  	_ =	shalt  }
0x6c: {  	_ =	shalt  }
0x6d: {  	_ =	shalt  }
0x6e: {  	_ =	shalt  }
0x6f: {  	_ =	shalt  }
0x70: {  	_ =	shalt  }
0x71: {  	_ =	shalt  }
0x72: {  	_ =	shalt  }
0x73: {  	_ =	shalt  }
0x74: {  	_ =	shalt  }
0x75: {  	_ =	shalt  }
0x76: {  	_ =	shalt  }
0x77: {  	_ =	shalt  }
0x78: {  	_ =	shalt  }
0x79: {  	_ =	shalt  }
0x7a: {  	_ =	shalt  }
0x7b: {  	_ =	shalt  }
0x7c: {  	_ =	shalt  }
0x7d: {  	_ =	shalt  }
0x7e: {  	_ =	shalt  }
0x7f: {  	_ =	shalt  }
0x80: {  	_ =	shalt  }
0x81: {  	_ =	shalt  }
0x82: {  	_ =	shalt  }
0x83: {  	_ =	shalt  }
0x84: {  	_ =	shalt  }
0x85: {  	_ =	shalt  }
0x86: {  	_ =	shalt  }
0x87: {  	_ =	shalt  }
.Lfunc_end0:
.L_simem_size_0:
called_computation_lowered:
.L_overlay_start_0:
0x88: {  	s2 =	sld [smem:$0x3FD9]  }
0x89: {  	s3 =	sld [smem:$0x3FFE];
	_ =	sdelay $0x1  }
0x8a: {  	s1 =	srdreg.scid  }
0x8b: {  	s0 =	sand.u32 $0x1, s1  }
0x8c: {  	s16 =	sshll.u32 s0, $0xA;
	s2 =	sadd.s32 s3, s2  }
0x8d: {  	s2 =	sadd.s32 s2, s16  }
0x8e: {  	[smem:$0x3FB3] =	sst s2  }
0x8f: {  	_ = 	snop  }
0x90: {  	(tm) =	ssettm $0x1  }
0x91: {  	s17 =	sld [smem:$0x3FFB];
	_ =	sdelay $0x3  }
0x92: {  	_ =	strace s17  }
0x93: {  	s2 =	sld [smem:$0x3FFC];
	_ =	sdelay $0x3  }
0x94: {  	_ =	strace s2  }
0x95: {  	s2 =	sld [smem:$0x3FFD];
	_ =	sdelay $0x3  }
0x96: {  	_ =	strace s2  }
0x97: {  	_ =	strace $0x8FFFFFFF  }
0x98: {  	s18 =	sld [smem:$0x3FDB];
	_ =	sdelay $0x1  }
0x99: {  	s19 =	simm.s32 $_scs_section_size  }
0x9a: {  	s4 =	simm.s32 $_size__tile_overlayer_lowered;
	s5 =	simm.s32 $_tile_overlayer_lowered  }
0x9b: {  	s22 =	simm.s32 $0x1BFF;
	s21 =	sshll.u32 s5, $0x1;
	s2 =	sadd.s32 s19, s18  }
0x9c: {  	s6 =	simm.s32 $0x0;
	s20 =	sshll.u32 s4, $0x1;
	s4 =	sadd.s32 s21, s2  }
0x9d: {  	[timem:s6], [sflag:s22] =	dma.local [hbm:s4], s20  }
0x9e: {  	_ =	swait.ge [sflag:s22], s20  }
0x9f: {  	s3 =	ssub.s32 $0x0, s20;
	[sflag:s22] =	ssyncset.done $0x0  }
0xa0: {  	[sflag:s22] =	ssyncadd.s32 s3;
	_ =	sdelay $0x1  }
0xa1: {  	s23 =	simm.s32 $0x1B8B  }
0xa2: {  	_ =	swait.ge [sflag:s23], $0x1  }
0xa3: {  	[sflag:s23] =	ssyncset.done $0x0  }
0xa4: {  	s25 =	simm.s32 $0x1B8E;
	s24 =	sld [smem:$0x3FFE];
	[sflag:s23] =	ssyncadd.s32 $0xFFFFFFFF  }
0xa5: {  	s26 =	simm.s32 $execute0_lowered;
	[smem:$0x3FD2] =	sst s25  }
0xa6: {  	s4 =	sshll.u32 s26, $0x1;
	_ =	strace $0x80000046;
	[dreg:$0x1] =	wrdreg $0xFFFFFFFF  }
0xa7: {  	s28 =	simm.s32 $_size_execute0_lowered;
	s2 =	sadd.s32 s2, s4;
	[dreg:$0x0] =	wrdreg $0x0  }
0xa8: {  	s4 =	sshll.u32 s28, $0x1;
	[dreg:$0x2] =	wrdreg s2  }
0xa9: {  	[dreg:$0x3] =	wrdreg s4  }
0xaa: {  	[dreg:$0x4] =	wrdreg $0xC0  }
0xab: {  	_ =	task [dreg:s6], $0x5FFFF  }
0xac: {  	[dreg:$0x1] =	wrdreg $0xFFFFFFFF  }
0xad: {  	[dreg:$0x0] =	wrdreg $0x60  }
0xae: {  	[dreg:$0x2] =	wrdreg s24  }
0xaf: {  	[dreg:$0x3] =	wrdreg $0x9  }
0xb0: {  	_ =	task.clear_ibuf [dreg:s6], $0x4FFFF;
	_ =	strace $0x90000046  }
0xb1: {  	s29 =	simm.s32 $0x9;
	_ =	strace $0x80000048  }
0xb2: {  	_ =	swait.ge [sflag:s29], $0x1  }
0xb3: {  	[sflag:s29] =	ssyncadd.s32 $0xFFFFFFFF  }
0xb4: {  	_ =	strace $0x90000048  }
0xb5: {  	_ =	sfence  }
0xb6: {  	s30 =	sld [smem:$0x0];
	_ =	sdelay $0x2  }
0xb7: {  	s31 =	sshll.u32 s1, $0xD;
	s1 =	sshrl.u32 s1, $0x2  }
0xb8: {  	s3 =	sand.u32 $0x4000, s31;
	s1 =	sadd.s32 s1, s30  }
0xb9: {  	s0 =	sor.u32 s3, s0;
	s1 =	sshll.u32 s1, $0x11  }
0xba: {  	s0 =	sor.u32 s1, s0  }
0xbb: {  	s0 =	sadd.s32 $0x8F2B, s0  }
0xbc: {  	[sflag:s0] =	ssyncadd.remote.s32 $0x1  }
0xbd: {  	_ =	sfence.sel $0xFFFF  }
0xbe: {  	[dreg:$0x0] =	wrdreg $0xFFFFFFFF;
	(pc) =	sbr.abs _section_cstart, $3  }
0xbf: {  	[dreg:$0x1] =	wrdreg $0xFFFFFFFF  }
0xc0: {  	_ =	task.clear_ibuf [dreg:s6], $0x2FFFF;
	_ =	strace $0x9FFFFFFF  }
0xc1: {  	(tm) =	ssettm $0x7FFFFFFF  }
tec
execute0_lowered:
.L_overlay_start_1:
0x0: {  	(tag) =	ssettag $0x1  }
0x1: {  	s1 =	srdreg.scid  }
0x2: {  	s0 =	stileid.u32;
	s4 =	rddreg [dreg:$0x0];
	s5 =	sand.u32 $0x1, s1  }
0x3: {  	s13 =	simm.s32 $0x900;
	s12 =	sshll.u32 s0, $0xB;
	s2 =	sshll.u32 s5, $0xA  }
0x4: {  	s14 =	simm.s32 $0x1100;
	s3 =	sor.u32 s2, s12;
	s2 =	simm.s32 $0x0  }
0x5: {  	s15 =	simm.s32 $0x1900;
	s16 =	simm.s32 $0x2100;
	[smem:$0x7FF] =	sst s2  }
0x6: {  	s17 =	simm.s32 $0x2900;
	_ =	strace $0x80000047;
	[dreg:$0x4] =	wrdreg s13  }
0x7: {  	s19 =	simm.s32 $0x3100;
	s20 =	simm.s32 $0x3900;
	[dreg:$0x5] =	wrdreg s14  }
0x8: {  	s22 =	simm.s32 $0x4100;
	s23 =	simm.s32 $0x4900;
	[dreg:$0x6] =	wrdreg s15  }
0x9: {  	s24 =	simm.s32 $0x5100;
	s25 =	simm.s32 $0x5900;
	[dreg:$0x7] =	wrdreg s16  }
0xa: {  	s26 =	simm.s32 $0x6100;
	s30 =	simm.s32 $0x6900;
	[dreg:$0x8] =	wrdreg s17  }
0xb: {  	s31 =	simm.s32 $0x7100;
	s9 =	simm.s32 $0x80;
	[dreg:$0x9] =	wrdreg s19  }
0xc: {  	s10 =	simm.s32 $0x8100;
	s11 =	simm.s32 $0x8900;
	[dreg:$0xa] =	wrdreg s20  }
0xd: {  	s28 =	simm.s32 $0x2;
	s29 =	simm.s32 $0x0;
	[dreg:$0xb] =	wrdreg s22  }
0xe: {  	s7 =	sadd.s32 $0x14200, s4;
	s18 =	sshll.u32 s0, $0x10;
	[dreg:$0xc] =	wrdreg s23  }
0xf: {  	s21 =	ssub.s32 $0x2, s5;
	s5 =	sshll.u32 s5, $0xF;
	[dreg:$0xd] =	wrdreg s24  }
0x10: {  	s8 =	sshrl.u32 s21, $0x1;
	s12 =	simm.s32 $0x9100;
	[dreg:$0xe] =	wrdreg s25  }
0x11: {  	s6 =	sor.u32 $0x80, s3;
	s3 =	sshrl.u32 s3, $0x3;
	[dreg:$0xf] =	wrdreg s26  }
0x12: {  	s6 =	sshrl.u32 s6, $0x3;
	s3 =	sadd.s32 s3, s7;
	[dreg:$0x10] =	wrdreg s30  }
0x13: {  	[dreg:$0x11] =	wrdreg s31;
	s13 =	simm.s32 $0x9900;
	s14 =	simm.s32 $0xA100  }
0x14: {  	s15 =	simm.s32 $0xA900;
	s16 =	simm.s32 $0xB100;
	s17 =	simm.s32 $0xB900  }
0x15: {  	s19 =	simm.s32 $0xC900;
	s20 =	simm.s32 $0xD100;
	s22 =	simm.s32 $0xE100  }
0x16: {  	s23 =	simm.s32 $0xE900;
	s24 =	simm.s32 $0xF100;
	s25 =	simm.s32 $0xF900  }
0x17: {  	s26 =	simm.s32 $0x1;
	s6 =	sadd.s32 s6, s7;
	[dreg:$0x3] =	wrdreg s3  }
0x18: {  	s3 =	sadd.s32 $0x4200, s4;
	s7 =	sadd.s32 s18, s4;
	s18 =	simm.s32 $0xC100  }
0x19: {  	v2 =	vlaneseq.u32;
	[dreg:$0x2] =	wrdreg s6;
	s6 =	ssub.s32 s21, s8;
	s5 =	sadd.s32 s5, s7  }
0x1a: {  	vm0 =	vmmov $0xffff;
	v1 =	vshrl.u32 v2, $0x3;
	s7 =	simm.s32 $0x100;
	s8 =	simm.s32 $0x7900;
	s21 =	simm.s32 $0xD900  }
0x1b: {  	v0 =	vand.u32 $0x7, v2;
	v2 =	vor.u32 $0x8, v2;
	v1 =	vmul.u32 $0x8, v1;
	s4 =	smax.u32 s6, $0x1;
	s5 =	sadd.s32 $0x16200, s5;
	s6 =	simm.s32 $0x3  }
.LBB2_1:
0x1c: {  	s30 =	smov.u32 s5;
	s31 =	simm.s32 $0x0  }
.LBB2_2:
0x1d: {  	s1 =	rddreg [dreg:$0x3]  }
0x1e: {  	s1 =	sadd.s32 s31, s1  }
0x1f: {  	[tilespmem:s2], [sflag:$0x3] =	stream.linear.gather [hbm4b:s1+s2], $0x80, $0x38;
	[tilespmem:$0x10100] =	vst v63  }
0x20: {  	_ =	swait.ge [sflag:s6], $0x80  }
0x21: {  	[sflag:s6] =	ssyncset.done $0x0  }
0x22: {  	[sflag:s6] =	ssyncadd.s32 $0xFFFFFF80  }
0x23: {  	v3 =	vld [tilespmem:$0x0];
	_ =	sdelay $0x4  }
0x24: {  	v4 =	vshll.u32 v3, $0x1  }
0x25: {  	v3 =	vand.u32 $0x7, v3;
	v4 =	vand.u32 $0xFFFFFFF0, v4  }
0x26: {  	v3 =	vor.u32 v3, v4  }
0x27: {  	v4 =	vperm.xlane v3, v0;
	_ =	sdelay $0x1  }
0x28: {  	v3 =	vperm.xlane v3, v2;
	v4 =	vadd.s32 v1, v4;
	_ =	sdelay $0x1  }
0x29: {  	v3 =	vadd.s32 v1, v3;
	_ =	sdelay $0x2  }
0x2a: {  	[tilespmem:s7], [sflag:$0x1] =	stream.indirect_vreg.gather [hbm4b:s3+s2], $0x80, v4, vm0, $0xb8;
	[tilespmem:$0x10100] =	vst v63  }
0x2b: {  	s0 =	rddreg [dreg:$0x4]  }
0x2c: {  	[tilespmem:s0], [sflag:$0x1] =	stream.indirect_vreg.gather [hbm4b:s3+s2], $0x80, v3, vm0, $0xb8;
	[tilespmem:$0x10100] =	vst v63  }
0x2d: {  	v3 =	vld [tilespmem:$0x10];
	_ =	sdelay $0x4  }
0x2e: {  	v49 =	vshll.u32 v3, $0x1  }
0x2f: {  	v3 =	vand.u32 $0x7, v3;
	v4 =	vand.u32 $0xFFFFFFF0, v49  }
0x30: {  	v3 =	vor.u32 v3, v4  }
0x31: {  	v4 =	vperm.xlane v3, v0;
	_ =	sdelay $0x1  }
0x32: {  	v3 =	vperm.xlane v3, v2;
	v4 =	vadd.s32 v1, v4;
	_ =	sdelay $0x1  }
0x33: {  	v3 =	vadd.s32 v1, v3;
	_ =	sdelay $0x1  }
0x34: {  	s1 =	rddreg [dreg:$0x5]  }
0x35: {  	[tilespmem:s1], [sflag:$0x1] =	stream.indirect_vreg.gather [hbm4b:s3+s2], $0x80, v4, vm0, $0xb8;
	[tilespmem:$0x10100] =	vst v63  }
0x36: {  	s0 =	rddreg [dreg:$0x6]  }
0x37: {  	[tilespmem:s0], [sflag:$0x1] =	stream.indirect_vreg.gather [hbm4b:s3+s2], $0x80, v3, vm0, $0xb8;
	[tilespmem:$0x10100] =	vst v63  }
0x38: {  	v3 =	vld [tilespmem:$0x20];
	_ =	sdelay $0x4  }
0x39: {  	v50 =	vshll.u32 v3, $0x1  }
0x3a: {  	v3 =	vand.u32 $0x7, v3;
	v4 =	vand.u32 $0xFFFFFFF0, v50  }
0x3b: {  	v3 =	vor.u32 v3, v4  }
0x3c: {  	v4 =	vperm.xlane v3, v0;
	_ =	sdelay $0x1  }
0x3d: {  	v3 =	vperm.xlane v3, v2;
	v4 =	vadd.s32 v1, v4;
	_ =	sdelay $0x1  }
0x3e: {  	v3 =	vadd.s32 v1, v3;
	_ =	sdelay $0x1  }
0x3f: {  	s0 =	rddreg [dreg:$0x7]  }
0x40: {  	[tilespmem:s0], [sflag:$0x1] =	stream.indirect_vreg.gather [hbm4b:s3+s2], $0x80, v4, vm0, $0xb8;
	[tilespmem:$0x10100] =	vst v63  }
0x41: {  	s1 =	rddreg [dreg:$0x8]  }
0x42: {  	[tilespmem:s1], [sflag:$0x1] =	stream.indirect_vreg.gather [hbm4b:s3+s2], $0x80, v3, vm0, $0xb8;
	[tilespmem:$0x10100] =	vst v63  }
0x43: {  	v3 =	vld [tilespmem:$0x30];
	_ =	sdelay $0x4  }
0x44: {  	v51 =	vshll.u32 v3, $0x1  }
0x45: {  	v3 =	vand.u32 $0x7, v3;
	v4 =	vand.u32 $0xFFFFFFF0, v51  }
0x46: {  	v3 =	vor.u32 v3, v4  }
0x47: {  	v4 =	vperm.xlane v3, v0;
	_ =	sdelay $0x1  }
0x48: {  	v3 =	vperm.xlane v3, v2;
	v4 =	vadd.s32 v1, v4;
	_ =	sdelay $0x1  }
0x49: {  	v3 =	vadd.s32 v1, v3;
	_ =	sdelay $0x1  }
0x4a: {  	s0 =	rddreg [dreg:$0x9]  }
0x4b: {  	[tilespmem:s0], [sflag:$0x1] =	stream.indirect_vreg.gather [hbm4b:s3+s2], $0x80, v4, vm0, $0xb8;
	[tilespmem:$0x10100] =	vst v63  }
0x4c: {  	s1 =	rddreg [dreg:$0xa]  }
0x4d: {  	[tilespmem:s1], [sflag:$0x1] =	stream.indirect_vreg.gather [hbm4b:s3+s2], $0x80, v3, vm0, $0xb8;
	[tilespmem:$0x10100] =	vst v63  }
0x4e: {  	v3 =	vld [tilespmem:$0x40];
	_ =	sdelay $0x4  }
0x4f: {  	v52 =	vshll.u32 v3, $0x1  }
0x50: {  	v3 =	vand.u32 $0x7, v3;
	v4 =	vand.u32 $0xFFFFFFF0, v52  }
0x51: {  	v3 =	vor.u32 v3, v4  }
0x52: {  	v4 =	vperm.xlane v3, v0;
	_ =	sdelay $0x1  }
0x53: {  	v3 =	vperm.xlane v3, v2;
	v4 =	vadd.s32 v1, v4;
	_ =	sdelay $0x1  }
0x54: {  	v3 =	vadd.s32 v1, v3;
	_ =	sdelay $0x1  }
0x55: {  	s0 =	rddreg [dreg:$0xb]  }
0x56: {  	[tilespmem:s0], [sflag:$0x1] =	stream.indirect_vreg.gather [hbm4b:s3+s2], $0x80, v4, vm0, $0xb8;
	[tilespmem:$0x10100] =	vst v63  }
0x57: {  	s1 =	rddreg [dreg:$0xc]  }
0x58: {  	[tilespmem:s1], [sflag:$0x1] =	stream.indirect_vreg.gather [hbm4b:s3+s2], $0x80, v3, vm0, $0xb8;
	[tilespmem:$0x10100] =	vst v63  }
0x59: {  	v3 =	vld [tilespmem:$0x50];
	_ =	sdelay $0x4  }
0x5a: {  	v53 =	vshll.u32 v3, $0x1  }
0x5b: {  	v3 =	vand.u32 $0x7, v3;
	v4 =	vand.u32 $0xFFFFFFF0, v53  }
0x5c: {  	v3 =	vor.u32 v3, v4  }
0x5d: {  	v4 =	vperm.xlane v3, v0;
	_ =	sdelay $0x1  }
0x5e: {  	v3 =	vperm.xlane v3, v2;
	v4 =	vadd.s32 v1, v4;
	_ =	sdelay $0x1  }
0x5f: {  	v3 =	vadd.s32 v1, v3;
	_ =	sdelay $0x1  }
0x60: {  	s0 =	rddreg [dreg:$0xd]  }
0x61: {  	[tilespmem:s0], [sflag:$0x1] =	stream.indirect_vreg.gather [hbm4b:s3+s2], $0x80, v4, vm0, $0xb8;
	[tilespmem:$0x10100] =	vst v63  }
0x62: {  	s1 =	rddreg [dreg:$0xe]  }
0x63: {  	[tilespmem:s1], [sflag:$0x1] =	stream.indirect_vreg.gather [hbm4b:s3+s2], $0x80, v3, vm0, $0xb8;
	[tilespmem:$0x10100] =	vst v63  }
0x64: {  	v3 =	vld [tilespmem:$0x60];
	_ =	sdelay $0x4  }
0x65: {  	v54 =	vshll.u32 v3, $0x1  }
0x66: {  	v3 =	vand.u32 $0x7, v3;
	v4 =	vand.u32 $0xFFFFFFF0, v54  }
0x67: {  	v3 =	vor.u32 v3, v4  }
0x68: {  	v4 =	vperm.xlane v3, v0;
	_ =	sdelay $0x1  }
0x69: {  	v3 =	vperm.xlane v3, v2;
	v4 =	vadd.s32 v1, v4;
	_ =	sdelay $0x1  }
0x6a: {  	v3 =	vadd.s32 v1, v3;
	_ =	sdelay $0x1  }
0x6b: {  	s0 =	rddreg [dreg:$0xf]  }
0x6c: {  	[tilespmem:s0], [sflag:$0x1] =	stream.indirect_vreg.gather [hbm4b:s3+s2], $0x80, v4, vm0, $0xb8;
	[tilespmem:$0x10100] =	vst v63  }
0x6d: {  	s1 =	rddreg [dreg:$0x10]  }
0x6e: {  	[tilespmem:s1], [sflag:$0x1] =	stream.indirect_vreg.gather [hbm4b:s3+s2], $0x80, v3, vm0, $0xb8;
	[tilespmem:$0x10100] =	vst v63  }
0x6f: {  	v3 =	vld [tilespmem:$0x70];
	_ =	sdelay $0x4  }
0x70: {  	v55 =	vshll.u32 v3, $0x1  }
0x71: {  	v3 =	vand.u32 $0x7, v3;
	v4 =	vand.u32 $0xFFFFFFF0, v55  }
0x72: {  	v3 =	vor.u32 v3, v4  }
0x73: {  	v4 =	vperm.xlane v3, v0;
	_ =	sdelay $0x1  }
0x74: {  	v3 =	vperm.xlane v3, v2;
	v4 =	vadd.s32 v1, v4;
	_ =	sdelay $0x1  }
0x75: {  	v3 =	vadd.s32 v1, v3;
	_ =	sdelay $0x1  }
0x76: {  	s1 =	rddreg [dreg:$0x11]  }
0x77: {  	[tilespmem:s1], [sflag:$0x1] =	stream.indirect_vreg.gather [hbm4b:s3+s2], $0x80, v4, vm0, $0xb8;
	[tilespmem:$0x10100] =	vst v63  }
0x78: {  	s1 =	rddreg [dreg:$0x2]  }
0x79: {  	[tilespmem:s8], [sflag:$0x1] =	stream.indirect_vreg.gather [hbm4b:s3+s2], $0x80, v3, vm0, $0xb8;
	[tilespmem:$0x10100] =	vst v63  }
0x7a: {  	s0 =	sadd.s32 s31, s1  }
0x7b: {  	[tilespmem:s9], [sflag:$0x3] =	stream.linear.gather [hbm4b:s0+s2], $0x80, $0x38;
	[tilespmem:$0x10100] =	vst v63  }
0x7c: {  	_ =	swait.ge [sflag:s6], $0x80  }
0x7d: {  	[sflag:s6] =	ssyncset.done $0x0  }
0x7e: {  	[sflag:s6] =	ssyncadd.s32 $0xFFFFFF80  }
0x7f: {  	v3 =	vld [tilespmem:$0x80];
	_ =	sdelay $0x4  }
0x80: {  	v56 =	vshll.u32 v3, $0x1  }
0x81: {  	v3 =	vand.u32 $0x7, v3;
	v4 =	vand.u32 $0xFFFFFFF0, v56  }
0x82: {  	v3 =	vor.u32 v3, v4  }
0x83: {  	v4 =	vperm.xlane v3, v0;
	_ =	sdelay $0x1  }
0x84: {  	v3 =	vperm.xlane v3, v2;
	v4 =	vadd.s32 v1, v4;
	_ =	sdelay $0x1  }
0x85: {  	v3 =	vadd.s32 v1, v3;
	_ =	sdelay $0x2  }
0x86: {  	[tilespmem:s10], [sflag:$0x2] =	stream.indirect_vreg.gather [hbm4b:s3+s2], $0x80, v4, vm0, $0xb8;
	[tilespmem:$0x10100] =	vst v63  }
0x87: {  	_ = 	snop  }
0x88: {  	[tilespmem:s11], [sflag:$0x2] =	stream.indirect_vreg.gather [hbm4b:s3+s2], $0x80, v3, vm0, $0xb8;
	[tilespmem:$0x10100] =	vst v63  }
0x89: {  	v3 =	vld [tilespmem:$0x90];
	_ =	sdelay $0x4  }
0x8a: {  	v57 =	vshll.u32 v3, $0x1  }
0x8b: {  	v3 =	vand.u32 $0x7, v3;
	v4 =	vand.u32 $0xFFFFFFF0, v57  }
0x8c: {  	v3 =	vor.u32 v3, v4  }
0x8d: {  	v4 =	vperm.xlane v3, v0;
	_ =	sdelay $0x1  }
0x8e: {  	v3 =	vperm.xlane v3, v2;
	v4 =	vadd.s32 v1, v4;
	_ =	sdelay $0x1  }
0x8f: {  	v3 =	vadd.s32 v1, v3;
	_ =	sdelay $0x2  }
0x90: {  	[tilespmem:s12], [sflag:$0x2] =	stream.indirect_vreg.gather [hbm4b:s3+s2], $0x80, v4, vm0, $0xb8;
	[tilespmem:$0x10100] =	vst v63  }
0x91: {  	_ = 	snop  }
0x92: {  	[tilespmem:s13], [sflag:$0x2] =	stream.indirect_vreg.gather [hbm4b:s3+s2], $0x80, v3, vm0, $0xb8;
	[tilespmem:$0x10100] =	vst v63  }
0x93: {  	v3 =	vld [tilespmem:$0xA0];
	_ =	sdelay $0x4  }
0x94: {  	v58 =	vshll.u32 v3, $0x1  }
0x95: {  	v3 =	vand.u32 $0x7, v3;
	v4 =	vand.u32 $0xFFFFFFF0, v58  }
0x96: {  	v3 =	vor.u32 v3, v4  }
0x97: {  	v4 =	vperm.xlane v3, v0;
	_ =	sdelay $0x1  }
0x98: {  	v3 =	vperm.xlane v3, v2;
	v4 =	vadd.s32 v1, v4;
	_ =	sdelay $0x1  }
0x99: {  	v3 =	vadd.s32 v1, v3;
	_ =	sdelay $0x2  }
0x9a: {  	[tilespmem:s14], [sflag:$0x2] =	stream.indirect_vreg.gather [hbm4b:s3+s2], $0x80, v4, vm0, $0xb8;
	[tilespmem:$0x10100] =	vst v63  }
0x9b: {  	_ = 	snop  }
0x9c: {  	[tilespmem:s15], [sflag:$0x2] =	stream.indirect_vreg.gather [hbm4b:s3+s2], $0x80, v3, vm0, $0xb8;
	[tilespmem:$0x10100] =	vst v63  }
0x9d: {  	v3 =	vld [tilespmem:$0xB0];
	_ =	sdelay $0x4  }
0x9e: {  	v59 =	vshll.u32 v3, $0x1  }
0x9f: {  	v3 =	vand.u32 $0x7, v3;
	v4 =	vand.u32 $0xFFFFFFF0, v59  }
0xa0: {  	v3 =	vor.u32 v3, v4  }
0xa1: {  	v4 =	vperm.xlane v3, v0;
	_ =	sdelay $0x1  }
0xa2: {  	v3 =	vperm.xlane v3, v2;
	v4 =	vadd.s32 v1, v4;
	_ =	sdelay $0x1  }
0xa3: {  	v3 =	vadd.s32 v1, v3;
	_ =	sdelay $0x2  }
0xa4: {  	[tilespmem:s16], [sflag:$0x2] =	stream.indirect_vreg.gather [hbm4b:s3+s2], $0x80, v4, vm0, $0xb8;
	[tilespmem:$0x10100] =	vst v63  }
0xa5: {  	_ = 	snop  }
0xa6: {  	[tilespmem:s17], [sflag:$0x2] =	stream.indirect_vreg.gather [hbm4b:s3+s2], $0x80, v3, vm0, $0xb8;
	[tilespmem:$0x10100] =	vst v63  }
0xa7: {  	v3 =	vld [tilespmem:$0xC0];
	_ =	sdelay $0x4  }
0xa8: {  	v60 =	vshll.u32 v3, $0x1  }
0xa9: {  	v3 =	vand.u32 $0x7, v3;
	v4 =	vand.u32 $0xFFFFFFF0, v60  }
0xaa: {  	v3 =	vor.u32 v3, v4  }
0xab: {  	v4 =	vperm.xlane v3, v0;
	_ =	sdelay $0x1  }
0xac: {  	v3 =	vperm.xlane v3, v2;
	v4 =	vadd.s32 v1, v4;
	_ =	sdelay $0x1  }
0xad: {  	v3 =	vadd.s32 v1, v3;
	_ =	sdelay $0x2  }
0xae: {  	[tilespmem:s18], [sflag:$0x2] =	stream.indirect_vreg.gather [hbm4b:s3+s2], $0x80, v4, vm0, $0xb8;
	[tilespmem:$0x10100] =	vst v63  }
0xaf: {  	_ = 	snop  }
0xb0: {  	[tilespmem:s19], [sflag:$0x2] =	stream.indirect_vreg.gather [hbm4b:s3+s2], $0x80, v3, vm0, $0xb8;
	[tilespmem:$0x10100] =	vst v63  }
0xb1: {  	v3 =	vld [tilespmem:$0xD0];
	_ =	sdelay $0x4  }
0xb2: {  	v61 =	vshll.u32 v3, $0x1  }
0xb3: {  	v3 =	vand.u32 $0x7, v3;
	v4 =	vand.u32 $0xFFFFFFF0, v61  }
0xb4: {  	v3 =	vor.u32 v3, v4  }
0xb5: {  	v4 =	vperm.xlane v3, v0;
	_ =	sdelay $0x1  }
0xb6: {  	v3 =	vperm.xlane v3, v2;
	v4 =	vadd.s32 v1, v4;
	_ =	sdelay $0x1  }
0xb7: {  	v3 =	vadd.s32 v1, v3;
	_ =	sdelay $0x2  }
0xb8: {  	[tilespmem:s20], [sflag:$0x2] =	stream.indirect_vreg.gather [hbm4b:s3+s2], $0x80, v4, vm0, $0xb8;
	[tilespmem:$0x10100] =	vst v63  }
0xb9: {  	_ = 	snop  }
0xba: {  	[tilespmem:s21], [sflag:$0x2] =	stream.indirect_vreg.gather [hbm4b:s3+s2], $0x80, v3, vm0, $0xb8;
	[tilespmem:$0x10100] =	vst v63  }
0xbb: {  	v3 =	vld [tilespmem:$0xE0];
	_ =	sdelay $0x4  }
0xbc: {  	v62 =	vshll.u32 v3, $0x1  }
0xbd: {  	v3 =	vand.u32 $0x7, v3;
	v4 =	vand.u32 $0xFFFFFFF0, v62  }
0xbe: {  	v3 =	vor.u32 v3, v4  }
0xbf: {  	v4 =	vperm.xlane v3, v0;
	_ =	sdelay $0x1  }
0xc0: {  	v3 =	vperm.xlane v3, v2;
	v4 =	vadd.s32 v1, v4;
	_ =	sdelay $0x1  }
0xc1: {  	v3 =	vadd.s32 v1, v3;
	_ =	sdelay $0x2  }
0xc2: {  	[tilespmem:s22], [sflag:$0x2] =	stream.indirect_vreg.gather [hbm4b:s3+s2], $0x80, v4, vm0, $0xb8;
	[tilespmem:$0x10100] =	vst v63  }
0xc3: {  	_ = 	snop  }
0xc4: {  	[tilespmem:s23], [sflag:$0x2] =	stream.indirect_vreg.gather [hbm4b:s3+s2], $0x80, v3, vm0, $0xb8;
	[tilespmem:$0x10100] =	vst v63  }
0xc5: {  	v3 =	vld [tilespmem:$0xF0];
	_ =	sdelay $0x4  }
0xc6: {  	v63 =	vshll.u32 v3, $0x1  }
0xc7: {  	v3 =	vand.u32 $0x7, v3;
	v4 =	vand.u32 $0xFFFFFFF0, v63  }
0xc8: {  	v3 =	vor.u32 v3, v4  }
0xc9: {  	v4 =	vperm.xlane v3, v0;
	_ =	sdelay $0x1  }
0xca: {  	v3 =	vperm.xlane v3, v2;
	v4 =	vadd.s32 v1, v4;
	_ =	sdelay $0x1  }
0xcb: {  	v3 =	vadd.s32 v1, v3;
	_ =	sdelay $0x2  }
0xcc: {  	[tilespmem:s24], [sflag:$0x2] =	stream.indirect_vreg.gather [hbm4b:s3+s2], $0x80, v4, vm0, $0xb8;
	[tilespmem:$0x10100] =	vst v63  }
0xcd: {  	_ = 	snop  }
0xce: {  	[tilespmem:s25], [sflag:$0x2] =	stream.indirect_vreg.gather [hbm4b:s3+s2], $0x80, v3, vm0, $0xb8;
	[tilespmem:$0x10100] =	vst v63  }
0xcf: {  	_ =	swait.ge [sflag:s26], $0x8000  }
0xd0: {  	[sflag:s26] =	ssyncset.done $0x0  }
0xd1: {  	s1 =	sadd.s32 $0xFFFFF000, s30;
	[sflag:s26] =	ssyncadd.s32 $0xFFFF8000  }
0xd2: {  	[hbm4b:s1+s2] =	stream.linear.scatter [tilespmem:s7], [sflag:$0x3], $0x8000, $0x38;
	[tilespmem:$0x10100] =	vst v63  }
0xd3: {  	_ =	swait.ge [sflag:s6], $0x8000  }
0xd4: {  	[sflag:s6] =	ssyncset.done $0x0  }
0xd5: {  	[sflag:s6] =	ssyncadd.s32 $0xFFFF8000  }
0xd6: {  	_ =	swait.ge [sflag:s28], $0x8000  }
0xd7: {  	p0 =	sne.s32 s31, $0x60;
	[sflag:s28] =	ssyncset.done $0x0  }
.Ltmp0:
0xd8: {  	[sflag:s28] =	ssyncadd.s32 $0xFFFF8000;
	(pc) =	sbr.rel @p0 .LBB2_2-.Ltmp0, $4  }
0xd9: {  	[hbm4b:s30+s2] =	stream.linear.scatter [tilespmem:s10], [sflag:$0x3], $0x8000, $0x38;
	[tilespmem:$0x10100] =	vst v63  }
0xda: {  	_ =	swait.ge [sflag:s6], $0x8000  }
0xdb: {  	[sflag:s6] =	ssyncset.done $0x0  }
0xdc: {  	s31 =	sadd.s32 $0x20, s31;
	s30 =	sadd.s32 $0x2000, s30;
	[sflag:s6] =	ssyncadd.s32 $0xFFFF8000  }
0xdd: {  	s29 =	sadd.s32 $0x1, s29  }
0xde: {  	p0 =	sne.s32 s29, s4  }
.Ltmp1:
0xdf: {  	_ = 	snop;
	(pc) =	sbr.rel @p0 .LBB2_1-.Ltmp1, $1  }
0xe0: {  	_ =	sdelay $0x3  }
0xe1: {  	_ =	sfence.sel $0x180000  }
0xe2: {  	[bflag:$0x0] =	sbarrier.arrive $0xFFFF  }
0xe3: {  	_ =	strace $0x90000047  }
0xe4: {  	s0 =	stileid.u32;
	[bflag:$0x2] =	sbarrier.arrive $0xFFFF  }
0xe5: {  	p0 =	sne.s32 s0, $0x0;
	s0 =	rddreg [dreg:$0x1]  }
0xe6: {  	s0 =	sadd.s32 @!p0 $0x100000, s0  }
0xe7: {  	[sflag:s0] =	ssyncadd.tile.s32 @!p0 $0x1;
	_ =	shalt  }
.Lfunc_end2:
_tile_overlayer_lowered:
.L_overlay_start_2:
0xe8: {  	(tag) =	ssettag $0x2  }
0xe9: {  	s0 =	rddreg [dreg:$0x0];
	s2 =	stileid.u32  }
0xea: {  	s1 =	rddreg [dreg:$0x1];
	p0 =	sne.s32 s2, $0x0  }
0xeb: {  	s3 =	rddreg [dreg:$0x2];
	[bflag:$0x3] =	sbarrier.arrive $0xFFFF;
	s2 =	simm.s32 @!p0 $0x1C03  }
0xec: {  	[timem:s3], [sflag:s2] =	dma.local @!p0 [hbm:s0], s1  }
0xed: {  	s0 =	simm.s32 @!p0 $0x3  }
0xee: {  	_ =	swait.ge @!p0 [sflag:s0], s1  }
0xef: {  	s1 =	ssub.s32 @!p0 $0x0, s1;
	[sflag:s0] =	ssyncset.done @!p0 $0x0  }
0xf0: {  	[sflag:s0] =	ssyncadd.s32 @!p0 s1  }
0xf1: {  	[bflag:$0x3] =	sbarrier.arrive $0xFFFF  }
0xf2: {  	_ =	shalt  }

</sc_bundles>
